<compile_context>
chip_gen: v7x
topology: tpu7x:2x2x1
jax: 0.10.2.dev20260603
libtpu: 0.0.44.dev20260713+nightly
codegen_flags: <defaults>
</compile_context>

<pallas_src>
import functools

import jax
import jax.numpy as jnp
from jax import lax
from jax.experimental import pallas as pl
from jax.experimental.pallas import tpu as pltpu
from jax.experimental.pallas import tpu_sc as plsc

NUM_WORKERS = 32
LANES = 16

ROWS = 32


@functools.lru_cache(maxsize=None)
def _make_sc_kernel(m_sc, m):
    rows_w = m_sc // NUM_WORKERS
    assert rows_w * NUM_WORKERS == m_sc and rows_w % (2 * ROWS) == 0
    n_chunks = rows_w // ROWS
    mesh = plsc.VectorSubcoreMesh(core_axis_name="c", subcore_axis_name="s")

    @functools.partial(
        pl.kernel,
        out_type=jax.ShapeDtypeStruct((m_sc, 512), jnp.float32),
        mesh=mesh,
        compiler_params=pltpu.CompilerParams(use_tc_tiling_on_sc=True),
        scratch_types=[
            pltpu.VMEM((3 * LANES,), jnp.float32),
            pltpu.VMEM((ROWS, 512), jnp.float32),
            pltpu.VMEM((ROWS, 512), jnp.float32),
            pltpu.VMEM((ROWS, 512), jnp.float32),
            pltpu.VMEM((ROWS, 512), jnp.float32),
            pltpu.SemaphoreType.DMA,
            pltpu.SemaphoreType.DMA,
            pltpu.SemaphoreType.DMA,
            pltpu.SemaphoreType.DMA,
        ],
    )
    def tone(x_hbm, w_hbm, h_hbm, s_hbm, out_hbm, whs_v, in0, in1, out0, out1,
             si0, si1, so0, so1):
        wid = lax.axis_index("s") * 2 + lax.axis_index("c")
        base = wid * rows_w
        pltpu.sync_copy(w_hbm, whs_v.at[pl.ds(0, 5)])
        pltpu.sync_copy(h_hbm, whs_v.at[pl.ds(LANES, 6)])
        pltpu.sync_copy(s_hbm, whs_v.at[pl.ds(2 * LANES, 6)])

        gdims = lax.GatherDimensionNumbers(
            offset_dims=(), collapsed_slice_dims=(0,), start_index_map=(0,))

        def _gather(tab, idx):
            return lax.gather(
                tab, idx[:, None], gdims, (1,),
                mode=lax.GatherScatterMode.PROMISE_IN_BOUNDS)

        w_v = whs_v[pl.ds(0, LANES)]
        h_v = whs_v[pl.ds(LANES, LANES)]
        s_v = whs_v[pl.ds(2 * LANES, LANES)]
        lane = lax.iota(jnp.int32, LANES)
        lane1 = jnp.minimum(lane + 1, LANES - 1)
        edges = w_v
        for k in (1, 2, 4):
            shifted = _gather(edges, jnp.maximum(lane - k, 0))
            edges = edges + jnp.where(lane >= k, shifted, 0.0)
        t_xlow = jnp.where(lane == 0, 0.0,
                           _gather(edges, jnp.maximum(lane - 1, 0)))
        t_invw = 1.0 / (w_v + 1e-8)
        t_ylow = h_v
        t_dy = _gather(h_v, lane1) - h_v
        s_hi = _gather(s_v, lane1)
        t_slm2 = s_v - 2.0
        t_ssum = s_v + s_hi
        t_tsm2 = t_ssum + t_ssum - 4.0
        e0 = _gather(edges, jnp.full((LANES,), 0, jnp.int32))
        e1 = _gather(edges, jnp.full((LANES,), 1, jnp.int32))
        e2 = _gather(edges, jnp.full((LANES,), 2, jnp.int32))
        e3 = _gather(edges, jnp.full((LANES,), 3, jnp.int32))
        two = jnp.full((LANES,), 2.0, jnp.float32)

        def run_chunk(in_v, out_v):
            def compute(i):
                r = i >> 5
                c = (i & 31) * LANES
                xv = in_v[r, pl.ds(c, LANES)]
                xf = jnp.minimum(jnp.maximum(xv, 0.0), 1.0)
                i0 = jnp.int32(0)
                idx = jnp.where(
                    xf > e3, jnp.int32(4),
                    jnp.where(xf > e2, jnp.int32(3),
                              jnp.where(xf > e1, jnp.int32(2),
                                        jnp.where(xf > e0, jnp.int32(1), i0))),
                )
                x_low = _gather(t_xlow, idx)
                inv_w = _gather(t_invw, idx)
                y_low = _gather(t_ylow, idx)
                dy = _gather(t_dy, idx)
                slm2 = _gather(t_slm2, idx)
                ssum = _gather(t_ssum, idx)
                tsm2 = _gather(t_tsm2, idx)
                t = (xf - x_low) * inv_w
                t2 = t * t
                num = (slm2 * t + two) * t
                den = ssum * t2 + (tsm2 * t + two)
                y = y_low + dy * (num / den)
                out_v[r, pl.ds(c, LANES)] = y

            plsc.parallel_loop(0, ROWS * 32, 1, unroll=4)(compute)

        n_pair = n_chunks // 2
        pltpu.async_copy(x_hbm.at[pl.ds(base, ROWS), :], in0, si0)
        pltpu.async_copy(x_hbm.at[pl.ds(base + ROWS, ROWS), :], in1, si1)

        def chunk_pair(k, _):
            off0 = base + k * (2 * ROWS)
            for (off, in_v, out_v, si, so) in (
                (off0, in0, out0, si0, so0),
                (off0 + ROWS, in1, out1, si1, so1),
            ):
                pltpu.make_async_copy(x_hbm.at[pl.ds(off, ROWS), :], in_v, si).wait()

                @pl.when(k > 0)
                def _():
                    pltpu.make_async_copy(
                        out_v, out_hbm.at[pl.ds(off, ROWS), :], so).wait()

                run_chunk(in_v, out_v)
                pltpu.async_copy(out_v, out_hbm.at[pl.ds(off, ROWS), :], so)

                @pl.when(k < n_pair - 1)
                def _():
                    pltpu.async_copy(
                        x_hbm.at[pl.ds(off + 2 * ROWS, ROWS), :], in_v, si)
            return 0

        lax.fori_loop(0, n_pair, chunk_pair, 0)
        last0 = base + (n_chunks - 2) * ROWS
        pltpu.make_async_copy(out0, out_hbm.at[pl.ds(last0, ROWS), :], so0).wait()
        pltpu.make_async_copy(
            out1, out_hbm.at[pl.ds(last0 + ROWS, ROWS), :], so1).wait()

    return tone


TC_BLOCK_ROWS = 1024


@functools.lru_cache(maxsize=None)
def _make_tc_kernel(m, m_sc):
    n_blocks = (m - m_sc) // TC_BLOCK_ROWS
    assert n_blocks * TC_BLOCK_ROWS == m - m_sc
    blk0 = m_sc // TC_BLOCK_ROWS

    def body(w_ref, h_ref, s_ref, x_ref, o_ref, p_ref):
        @pl.when(pl.program_id(0) == 0)
        def _():
            e = w_ref[0]
            p_ref[35] = e
            for b in range(1, 5):
                e = e + w_ref[b]
                p_ref[35 + b] = e
            for b in range(5):
                p_ref[0 + b] = p_ref[34 + b] if b > 0 else 0.0
                p_ref[5 + b] = 1.0 / (w_ref[b] + 1e-8)
                p_ref[10 + b] = h_ref[b]
                p_ref[15 + b] = h_ref[b + 1] - h_ref[b]
                p_ref[20 + b] = s_ref[b] - 2.0
                p_ref[25 + b] = s_ref[b] + s_ref[b + 1]

        xv = x_ref[...]
        xf = jnp.minimum(jnp.maximum(xv, 0.0), 1.0)
        m0 = xf > p_ref[35]
        m1 = xf > p_ref[36]
        m2 = xf > p_ref[37]
        m3 = xf > p_ref[38]

        def sel(k):
            return jnp.where(
                m3, p_ref[k + 4],
                jnp.where(m2, p_ref[k + 3],
                          jnp.where(m1, p_ref[k + 2],
                                    jnp.where(m0, p_ref[k + 1], p_ref[k]))))

        xl = sel(0)
        iw = sel(5)
        yl = sel(10)
        dyv = sel(15)
        a = sel(20)
        sm = sel(25)
        ts = sm + sm - 4.0
        t = (xf - xl) * iw
        t2 = t * t
        num = (a * t + 2.0) * t
        den = sm * t2 + (ts * t + 2.0)
        o_ref[...] = yl + dyv * (num / den)

    return pl.pallas_call(
        body,
        grid=(n_blocks,),
        in_specs=[
            pl.BlockSpec(memory_space=pltpu.SMEM),
            pl.BlockSpec(memory_space=pltpu.SMEM),
            pl.BlockSpec(memory_space=pltpu.SMEM),
            pl.BlockSpec((TC_BLOCK_ROWS, 512), lambda i: (blk0 + i, 0)),
        ],
        out_specs=pl.BlockSpec((TC_BLOCK_ROWS, 512), lambda i: (blk0 + i, 0)),
        out_shape=jax.ShapeDtypeStruct((m, 512), jnp.float32),
        scratch_shapes=[pltpu.SMEM((40,), jnp.float32)],
    )


SC_ROWS_TOTAL = 8192


def kernel(x, widths, heights, slopes):
    orig_shape = x.shape
    x2 = x.reshape(-1, 512)
    m = x2.shape[0]
    m_sc = SC_ROWS_TOTAL if m % (2 * 32 * 32) == 0 and m > SC_ROWS_TOTAL else m
    if m_sc < m:
        sc_out = _make_sc_kernel(m_sc, m)(x2, widths, heights, slopes)
        tc_out = _make_tc_kernel(m, m_sc)(widths, heights, slopes, x2)
        out = jax.lax.dynamic_update_slice(tc_out, sc_out, (0, 0))
    else:
        out = _make_sc_kernel(m, m)(x2, widths, heights, slopes)
    return out.reshape(orig_shape)

# --- scband reference (transcript-rebuilt; emitter-appended) ---
"""Pipeline reference for scband-tone-mapping-10746008174745 (READ-ONLY COPY).

The authoritative reference and input builder live on the scoring server;
editing this copy changes nothing except your own understanding.
"""

import jax, jax.numpy as jnp
import numpy as np

NUM_BINS = 5

def setup_inputs(seed: int = 0) -> dict:
    key = jax.random.key(seed)
    x = jax.random.uniform(key, (16, 3, 512, 512), dtype=jnp.float32)
    widths = jnp.ones((NUM_BINS,), dtype=jnp.float32) / NUM_BINS
    heights = jnp.linspace(0.0, 1.0, NUM_BINS + 1, dtype=jnp.float32)
    slopes = jnp.ones((NUM_BINS + 1,), dtype=jnp.float32)
    return {"x": x, "widths": widths, "heights": heights, "slopes": slopes}

def reference(x, widths, heights, slopes):
    original_shape = x.shape
    xf = x.reshape(-1)
    xf = jnp.clip(xf, 0.0, 1.0)
    bin_edges = jnp.cumsum(widths)
    bin_idx = jnp.searchsorted(bin_edges, xf)
    bin_idx = jnp.clip(bin_idx, 0, NUM_BINS - 1)
    widths_cumsum = jnp.concatenate([jnp.zeros((1,), dtype=widths.dtype), bin_edges[:-1]])
    x_low = widths_cumsum[bin_idx]
    x_high = (widths_cumsum + widths)[bin_idx]
    y_low = heights[:-1][bin_idx]
    y_high = heights[1:][bin_idx]
    slope_low = slopes[:-1][bin_idx]
    slope_high = slopes[1:][bin_idx]
    t = (xf - x_low) / (x_high - x_low + 1e-08)
    numerator = slope_low * t ** 2 + 2 * t * (1 - t)
    denominator = (slope_low + slope_high) * t ** 2 + 2 * (slope_low + slope_high - 2) * t + 2
    y = y_low + (y_high - y_low) * numerator / denominator
    return y.reshape(original_shape)

if __name__ == "__main__":
    import jax
    _d = setup_inputs()
    print(jax.jit(kernel)(*tuple(_d.values())))

</pallas_src>

<mosaic_0001>
#map = affine_map<(d0, d1) -> (0, 0)>
#map1 = affine_map<(d0, d1) -> (0)>
module attributes {stable_mosaic.version = 14 : i64} {
  func.func @tone(%arg0: i32, %arg1: i32, %arg2: memref<24576x512xf32, #tpu.memory_space<hbm>>, %arg3: memref<5xf32, #tpu.memory_space<hbm>>, %arg4: memref<6xf32, #tpu.memory_space<hbm>>, %arg5: memref<6xf32, #tpu.memory_space<hbm>>, %arg6: memref<8192x512xf32, #tpu.memory_space<hbm>>, %arg7: memref<48xf32, #tpu.memory_space<vmem>>, %arg8: memref<32x512xf32, #tpu.memory_space<vmem>>, %arg9: memref<32x512xf32, #tpu.memory_space<vmem>>, %arg10: memref<32x512xf32, #tpu.memory_space<vmem>>, %arg11: memref<32x512xf32, #tpu.memory_space<vmem>>, %arg12: memref<!tpu.dma_semaphore, #tpu.memory_space<semaphore_mem>>, %arg13: memref<!tpu.dma_semaphore, #tpu.memory_space<semaphore_mem>>, %arg14: memref<!tpu.dma_semaphore, #tpu.memory_space<semaphore_mem>>, %arg15: memref<!tpu.dma_semaphore, #tpu.memory_space<semaphore_mem>>) attributes {dimension_semantics = [#tpu.dimension_semantics<core_parallel>, #tpu.dimension_semantics<subcore_parallel>], iteration_bounds = array<i64: 2, 16>, scalar_prefetch = 0 : i64, scratch_operands = 9 : i64, tpu.core_type = #tpu.core_type<sc_vector_subcore>, window_params = [{transform_indices = #map}, {transform_indices = #map1}, {transform_indices = #map1}, {transform_indices = #map1}, {transform_indices = #map}]} {
    %mul3A = arith.constant 2 : i32
    %mul3A_0 = arith.muli %arg1, %mul3A : i32
    %add3A = arith.addi %mul3A_0, %arg0 : i32
    %mul3A_1 = arith.constant 256 : i32
    %mul3A_2 = arith.muli %add3A, %mul3A_1 : i32
    "tpu.region"() ({
      %run_scoped3A = tpu.sem_alloc : memref<!tpu.dma_semaphore, #tpu.memory_space<semaphore_mem>>
      %dma_start3A_139 = arith.constant 0 : i32
      %dma_start3A_140 = tpu.memref_slice %arg7[%dma_start3A_139] : memref<48xf32, #tpu.memory_space<vmem>> -> memref<5xf32, #tpu.memory_space<vmem>>
      %dma_start3A_141 = arith.constant 0 : i32
      %dma_start3A_142 = tpu.memref_slice %arg7[%dma_start3A_141] : memref<48xf32, #tpu.memory_space<vmem>> -> memref<5xf32, #tpu.memory_space<vmem>>
      tpu.enqueue_dma source(%arg3 : memref<5xf32, #tpu.memory_space<hbm>>) target(%dma_start3A_142 : memref<5xf32, #tpu.memory_space<vmem>>) target_semaphore(%run_scoped3A : memref<!tpu.dma_semaphore, #tpu.memory_space<semaphore_mem>>)
      %dma_wait3A_143 = arith.constant 0 : i32
      %dma_wait3A_144 = tpu.memref_slice %arg7[%dma_wait3A_143] : memref<48xf32, #tpu.memory_space<vmem>> -> memref<5xf32, #tpu.memory_space<vmem>>
      %dma_wait3A_145 = arith.constant 0 : i32
      %dma_wait3A_146 = tpu.memref_slice %arg7[%dma_wait3A_145] : memref<48xf32, #tpu.memory_space<vmem>> -> memref<5xf32, #tpu.memory_space<vmem>>
      tpu.wait_dma2 semaphore(%run_scoped3A : memref<!tpu.dma_semaphore, #tpu.memory_space<semaphore_mem>>) src(%arg3 : memref<5xf32, #tpu.memory_space<hbm>>) dst(%dma_wait3A_146 : memref<5xf32, #tpu.memory_space<vmem>>)
      tpu.yield
    }) : () -> ()
    "tpu.region"() ({
      %run_scoped3A = tpu.sem_alloc : memref<!tpu.dma_semaphore, #tpu.memory_space<semaphore_mem>>
      %dma_start3A_139 = arith.constant 16 : i32
      %dma_start3A_140 = tpu.memref_slice %arg7[%dma_start3A_139] : memref<48xf32, #tpu.memory_space<vmem>> -> memref<6xf32, #tpu.memory_space<vmem>>
      %dma_start3A_141 = arith.constant 16 : i32
      %dma_start3A_142 = tpu.memref_slice %arg7[%dma_start3A_141] : memref<48xf32, #tpu.memory_space<vmem>> -> memref<6xf32, #tpu.memory_space<vmem>>
      tpu.enqueue_dma source(%arg4 : memref<6xf32, #tpu.memory_space<hbm>>) target(%dma_start3A_142 : memref<6xf32, #tpu.memory_space<vmem>>) target_semaphore(%run_scoped3A : memref<!tpu.dma_semaphore, #tpu.memory_space<semaphore_mem>>)
      %dma_wait3A_143 = arith.constant 16 : i32
      %dma_wait3A_144 = tpu.memref_slice %arg7[%dma_wait3A_143] : memref<48xf32, #tpu.memory_space<vmem>> -> memref<6xf32, #tpu.memory_space<vmem>>
      %dma_wait3A_145 = arith.constant 16 : i32
      %dma_wait3A_146 = tpu.memref_slice %arg7[%dma_wait3A_145] : memref<48xf32, #tpu.memory_space<vmem>> -> memref<6xf32, #tpu.memory_space<vmem>>
      tpu.wait_dma2 semaphore(%run_scoped3A : memref<!tpu.dma_semaphore, #tpu.memory_space<semaphore_mem>>) src(%arg4 : memref<6xf32, #tpu.memory_space<hbm>>) dst(%dma_wait3A_146 : memref<6xf32, #tpu.memory_space<vmem>>)
      tpu.yield
    }) : () -> ()
    "tpu.region"() ({
      %run_scoped3A = tpu.sem_alloc : memref<!tpu.dma_semaphore, #tpu.memory_space<semaphore_mem>>
      %dma_start3A_139 = arith.constant 32 : i32
      %dma_start3A_140 = tpu.memref_slice %arg7[%dma_start3A_139] : memref<48xf32, #tpu.memory_space<vmem>> -> memref<6xf32, #tpu.memory_space<vmem>>
      %dma_start3A_141 = arith.constant 32 : i32
      %dma_start3A_142 = tpu.memref_slice %arg7[%dma_start3A_141] : memref<48xf32, #tpu.memory_space<vmem>> -> memref<6xf32, #tpu.memory_space<vmem>>
      tpu.enqueue_dma source(%arg5 : memref<6xf32, #tpu.memory_space<hbm>>) target(%dma_start3A_142 : memref<6xf32, #tpu.memory_space<vmem>>) target_semaphore(%run_scoped3A : memref<!tpu.dma_semaphore, #tpu.memory_space<semaphore_mem>>)
      %dma_wait3A_143 = arith.constant 32 : i32
      %dma_wait3A_144 = tpu.memref_slice %arg7[%dma_wait3A_143] : memref<48xf32, #tpu.memory_space<vmem>> -> memref<6xf32, #tpu.memory_space<vmem>>
      %dma_wait3A_145 = arith.constant 32 : i32
      %dma_wait3A_146 = tpu.memref_slice %arg7[%dma_wait3A_145] : memref<48xf32, #tpu.memory_space<vmem>> -> memref<6xf32, #tpu.memory_space<vmem>>
      tpu.wait_dma2 semaphore(%run_scoped3A : memref<!tpu.dma_semaphore, #tpu.memory_space<semaphore_mem>>) src(%arg5 : memref<6xf32, #tpu.memory_space<hbm>>) dst(%dma_wait3A_146 : memref<6xf32, #tpu.memory_space<vmem>>)
      tpu.yield
    }) : () -> ()
    %get3A = arith.constant 0 : index
    %get3A_3 = tpu.vector_load %arg7[%get3A] {strides = array<i32>} : memref<48xf32, #tpu.memory_space<vmem>>, vector<16xf32>,
    %get3A_4 = vector.shape_cast %get3A_3 : vector<16xf32> to vector<16xf32>
    %get3A_5 = arith.constant 16 : index
    %get3A_6 = tpu.vector_load %arg7[%get3A_5] {strides = array<i32>} : memref<48xf32, #tpu.memory_space<vmem>>, vector<16xf32>,
    %get3A_7 = vector.shape_cast %get3A_6 : vector<16xf32> to vector<16xf32>
    %get3A_8 = arith.constant 32 : index
    %get3A_9 = tpu.vector_load %arg7[%get3A_8] {strides = array<i32>} : memref<48xf32, #tpu.memory_space<vmem>>, vector<16xf32>,
    %get3A_10 = vector.shape_cast %get3A_9 : vector<16xf32> to vector<16xf32>
    %iota3A = tpu.iota {dimensions = array<i32: 0>} : vector<16xi32>
    %add3A_11 = arith.constant 1 : i32
    %add3A_12 = vector.broadcast %add3A_11 : i32 to vector<16xi32>
    %add3A_13 = arith.addi %iota3A, %add3A_12 : vector<16xi32>
    %min3A = arith.constant 15 : i32
    %min3A_14 = vector.broadcast %min3A : i32 to vector<16xi32>
    %min3A_15 = arith.minsi %add3A_13, %min3A_14 : vector<16xi32>
    %sub3A = arith.constant 1 : i32
    %sub3A_16 = vector.broadcast %sub3A : i32 to vector<16xi32>
    %sub3A_17 = arith.subi %iota3A, %sub3A_16 : vector<16xi32>
    %max3A = arith.constant 0 : i32
    %max3A_18 = vector.broadcast %max3A : i32 to vector<16xi32>
    %max3A_19 = arith.maxsi %sub3A_17, %max3A_18 : vector<16xi32>
    %broadcast_in_dim3A = vector.shape_cast %max3A_19 : vector<16xi32> to vector<16x1xi32>
    %gather3A = vector.shape_cast %broadcast_in_dim3A : vector<16x1xi32> to vector<16xi32>
    %gather3A_20 = tpu.dynamic_gather %get3A_4[%gather3A] in [0] : vector<16xf32>, vector<16xi32> -> vector<16xf32>
    %ge3A = arith.constant 1 : i32
    %ge3A_21 = vector.broadcast %ge3A : i32 to vector<16xi32>
    %ge3A_22 = arith.cmpi sge, %iota3A, %ge3A_21 : vector<16xi32>
    %jit3A = arith.constant 0.000000e+00 : f32
    %broadcast_in_dim3A_23 = vector.broadcast %jit3A : f32 to vector<16xf32>
    %select_n3A = arith.select %ge3A_22, %gather3A_20, %broadcast_in_dim3A_23 : vector<16xi1>, vector<16xf32>
    %add3A_24 = arith.addf %get3A_4, %select_n3A : vector<16xf32>
    %sub3A_25 = arith.constant 2 : i32
    %sub3A_26 = vector.broadcast %sub3A_25 : i32 to vector<16xi32>
    %sub3A_27 = arith.subi %iota3A, %sub3A_26 : vector<16xi32>
    %max3A_28 = arith.constant 0 : i32
    %max3A_29 = vector.broadcast %max3A_28 : i32 to vector<16xi32>
    %max3A_30 = arith.maxsi %sub3A_27, %max3A_29 : vector<16xi32>
    %broadcast_in_dim3A_31 = vector.shape_cast %max3A_30 : vector<16xi32> to vector<16x1xi32>
    %gather3A_32 = vector.shape_cast %broadcast_in_dim3A_31 : vector<16x1xi32> to vector<16xi32>
    %gather3A_33 = tpu.dynamic_gather %add3A_24[%gather3A_32] in [0] : vector<16xf32>, vector<16xi32> -> vector<16xf32>
    %ge3A_34 = arith.constant 2 : i32
    %ge3A_35 = vector.broadcast %ge3A_34 : i32 to vector<16xi32>
    %ge3A_36 = arith.cmpi sge, %iota3A, %ge3A_35 : vector<16xi32>
    %jit3A_37 = arith.constant 0.000000e+00 : f32
    %broadcast_in_dim3A_38 = vector.broadcast %jit3A_37 : f32 to vector<16xf32>
    %select_n3A_39 = arith.select %ge3A_36, %gather3A_33, %broadcast_in_dim3A_38 : vector<16xi1>, vector<16xf32>
    %add3A_40 = arith.addf %add3A_24, %select_n3A_39 : vector<16xf32>
    %sub3A_41 = arith.constant 4 : i32
    %sub3A_42 = vector.broadcast %sub3A_41 : i32 to vector<16xi32>
    %sub3A_43 = arith.subi %iota3A, %sub3A_42 : vector<16xi32>
    %max3A_44 = arith.constant 0 : i32
    %max3A_45 = vector.broadcast %max3A_44 : i32 to vector<16xi32>
    %max3A_46 = arith.maxsi %sub3A_43, %max3A_45 : vector<16xi32>
    %broadcast_in_dim3A_47 = vector.shape_cast %max3A_46 : vector<16xi32> to vector<16x1xi32>
    %gather3A_48 = vector.shape_cast %broadcast_in_dim3A_47 : vector<16x1xi32> to vector<16xi32>
    %gather3A_49 = tpu.dynamic_gather %add3A_40[%gather3A_48] in [0] : vector<16xf32>, vector<16xi32> -> vector<16xf32>
    %ge3A_50 = arith.constant 4 : i32
    %ge3A_51 = vector.broadcast %ge3A_50 : i32 to vector<16xi32>
    %ge3A_52 = arith.cmpi sge, %iota3A, %ge3A_51 : vector<16xi32>
    %jit3A_53 = arith.constant 0.000000e+00 : f32
    %broadcast_in_dim3A_54 = vector.broadcast %jit3A_53 : f32 to vector<16xf32>
    %select_n3A_55 = arith.select %ge3A_52, %gather3A_49, %broadcast_in_dim3A_54 : vector<16xi1>, vector<16xf32>
    %add3A_56 = arith.addf %add3A_40, %select_n3A_55 : vector<16xf32>
    %eq3A = arith.constant 0 : i32
    %eq3A_57 = vector.broadcast %eq3A : i32 to vector<16xi32>
    %eq3A_58 = arith.cmpi eq, %iota3A, %eq3A_57 : vector<16xi32>
    %sub3A_59 = arith.constant 1 : i32
    %sub3A_60 = vector.broadcast %sub3A_59 : i32 to vector<16xi32>
    %sub3A_61 = arith.subi %iota3A, %sub3A_60 : vector<16xi32>
    %max3A_62 = arith.constant 0 : i32
    %max3A_63 = vector.broadcast %max3A_62 : i32 to vector<16xi32>
    %max3A_64 = arith.maxsi %sub3A_61, %max3A_63 : vector<16xi32>
    %broadcast_in_dim3A_65 = vector.shape_cast %max3A_64 : vector<16xi32> to vector<16x1xi32>
    %gather3A_66 = vector.shape_cast %broadcast_in_dim3A_65 : vector<16x1xi32> to vector<16xi32>
    %gather3A_67 = tpu.dynamic_gather %add3A_56[%gather3A_66] in [0] : vector<16xf32>, vector<16xi32> -> vector<16xf32>
    %jit3A_68 = arith.constant 0.000000e+00 : f32
    %broadcast_in_dim3A_69 = vector.broadcast %jit3A_68 : f32 to vector<16xf32>
    %select_n3A_70 = arith.select %eq3A_58, %broadcast_in_dim3A_69, %gather3A_67 : vector<16xi1>, vector<16xf32>
    %add3A_71 = arith.constant 9.99999993E-9 : f32
    %add3A_72 = vector.broadcast %add3A_71 : f32 to vector<16xf32>
    %add3A_73 = arith.addf %get3A_4, %add3A_72 : vector<16xf32>
    %div3A = arith.constant 1.000000e+00 : f32
    %div3A_74 = vector.broadcast %div3A : f32 to vector<16xf32>
    %div3A_75 = arith.divf %div3A_74, %add3A_73 : vector<16xf32>
    %broadcast_in_dim3A_76 = vector.shape_cast %min3A_15 : vector<16xi32> to vector<16x1xi32>
    %gather3A_77 = vector.shape_cast %broadcast_in_dim3A_76 : vector<16x1xi32> to vector<16xi32>
    %gather3A_78 = tpu.dynamic_gather %get3A_7[%gather3A_77] in [0] : vector<16xf32>, vector<16xi32> -> vector<16xf32>
    %sub3A_79 = arith.subf %gather3A_78, %get3A_7 : vector<16xf32>
    %broadcast_in_dim3A_80 = vector.shape_cast %min3A_15 : vector<16xi32> to vector<16x1xi32>
    %gather3A_81 = vector.shape_cast %broadcast_in_dim3A_80 : vector<16x1xi32> to vector<16xi32>
    %gather3A_82 = tpu.dynamic_gather %get3A_10[%gather3A_81] in [0] : vector<16xf32>, vector<16xi32> -> vector<16xf32>
    %sub3A_83 = arith.constant 2.000000e+00 : f32
    %sub3A_84 = vector.broadcast %sub3A_83 : f32 to vector<16xf32>
    %sub3A_85 = arith.subf %get3A_10, %sub3A_84 : vector<16xf32>
    %add3A_86 = arith.addf %get3A_10, %gather3A_82 : vector<16xf32>
    %add3A_87 = arith.addf %add3A_86, %add3A_86 : vector<16xf32>
    %sub3A_88 = arith.constant 4.000000e+00 : f32
    %sub3A_89 = vector.broadcast %sub3A_88 : f32 to vector<16xf32>
    %sub3A_90 = arith.subf %add3A_87, %sub3A_89 : vector<16xf32>
    %broadcast_in_dim3A_91 = arith.constant 0 : i32
    %broadcast_in_dim3A_92 = vector.broadcast %broadcast_in_dim3A_91 : i32 to vector<16xi32>
    %broadcast_in_dim3A_93 = vector.shape_cast %broadcast_in_dim3A_92 : vector<16xi32> to vector<16x1xi32>
    %gather3A_94 = vector.shape_cast %broadcast_in_dim3A_93 : vector<16x1xi32> to vector<16xi32>
    %gather3A_95 = tpu.dynamic_gather %add3A_56[%gather3A_94] in [0] : vector<16xf32>, vector<16xi32> -> vector<16xf32>
    %broadcast_in_dim3A_96 = arith.constant 1 : i32
    %broadcast_in_dim3A_97 = vector.broadcast %broadcast_in_dim3A_96 : i32 to vector<16xi32>
    %broadcast_in_dim3A_98 = vector.shape_cast %broadcast_in_dim3A_97 : vector<16xi32> to vector<16x1xi32>
    %gather3A_99 = vector.shape_cast %broadcast_in_dim3A_98 : vector<16x1xi32> to vector<16xi32>
    %gather3A_100 = tpu.dynamic_gather %add3A_56[%gather3A_99] in [0] : vector<16xf32>, vector<16xi32> -> vector<16xf32>
    %broadcast_in_dim3A_101 = arith.constant 2 : i32
    %broadcast_in_dim3A_102 = vector.broadcast %broadcast_in_dim3A_101 : i32 to vector<16xi32>
    %broadcast_in_dim3A_103 = vector.shape_cast %broadcast_in_dim3A_102 : vector<16xi32> to vector<16x1xi32>
    %gather3A_104 = vector.shape_cast %broadcast_in_dim3A_103 : vector<16x1xi32> to vector<16xi32>
    %gather3A_105 = tpu.dynamic_gather %add3A_56[%gather3A_104] in [0] : vector<16xf32>, vector<16xi32> -> vector<16xf32>
    %broadcast_in_dim3A_106 = arith.constant 3 : i32
    %broadcast_in_dim3A_107 = vector.broadcast %broadcast_in_dim3A_106 : i32 to vector<16xi32>
    %broadcast_in_dim3A_108 = vector.shape_cast %broadcast_in_dim3A_107 : vector<16xi32> to vector<16x1xi32>
    %gather3A_109 = vector.shape_cast %broadcast_in_dim3A_108 : vector<16x1xi32> to vector<16xi32>
    %gather3A_110 = tpu.dynamic_gather %add3A_56[%gather3A_109] in [0] : vector<16xf32>, vector<16xi32> -> vector<16xf32>
    %broadcast_in_dim3A_111 = arith.constant 2.000000e+00 : f32
    %broadcast_in_dim3A_112 = vector.broadcast %broadcast_in_dim3A_111 : f32 to vector<16xf32>
    %dma_start3A = arith.constant 0 : i32
    %dma_start3A_113 = tpu.memref_slice %arg2[%mul3A_2, %dma_start3A] : memref<24576x512xf32, #tpu.memory_space<hbm>> -> memref<32x512xf32, #tpu.memory_space<hbm>>
    %dma_start3A_114 = arith.constant 0 : i32
    %dma_start3A_115 = tpu.memref_slice %arg2[%mul3A_2, %dma_start3A_114] : memref<24576x512xf32, #tpu.memory_space<hbm>> -> memref<32x512xf32, #tpu.memory_space<hbm>>
    tpu.enqueue_dma source(%dma_start3A_115 : memref<32x512xf32, #tpu.memory_space<hbm>>) target(%arg8 : memref<32x512xf32, #tpu.memory_space<vmem>>) target_semaphore(%arg12 : memref<!tpu.dma_semaphore, #tpu.memory_space<semaphore_mem>>)
    %add3A_116 = arith.constant 32 : i32
    %add3A_117 = arith.addi %mul3A_2, %add3A_116 : i32
    %dma_start3A_118 = arith.constant 0 : i32
    %dma_start3A_119 = tpu.memref_slice %arg2[%add3A_117, %dma_start3A_118] : memref<24576x512xf32, #tpu.memory_space<hbm>> -> memref<32x512xf32, #tpu.memory_space<hbm>>
    %dma_start3A_120 = arith.constant 0 : i32
    %dma_start3A_121 = tpu.memref_slice %arg2[%add3A_117, %dma_start3A_120] : memref<24576x512xf32, #tpu.memory_space<hbm>> -> memref<32x512xf32, #tpu.memory_space<hbm>>
    tpu.enqueue_dma source(%dma_start3A_121 : memref<32x512xf32, #tpu.memory_space<hbm>>) target(%arg9 : memref<32x512xf32, #tpu.memory_space<vmem>>) target_semaphore(%arg13 : memref<!tpu.dma_semaphore, #tpu.memory_space<semaphore_mem>>)
    %scan3A = arith.constant 0 : i32
    %scan3A_122 = arith.constant 0 : i32
    %scan3A_123 = arith.constant 4 : i32
    %scan3A_124 = arith.addi %scan3A_122, %scan3A_123 : i32
    %scan3A_125 = arith.constant 1 : i32
    %scan3A_126 = scf.for %scan3A_139 = %scan3A_122 to %scan3A_124 step %scan3A_125 iter_args(%scan3A_140 = %scan3A) -> (i32)  : i32 {
      %mul3A_141 = arith.constant 64 : i32
      %mul3A_142 = arith.muli %scan3A_139, %mul3A_141 : i32
      %add3A_143 = arith.addi %mul3A_2, %mul3A_142 : i32
      %add3A_144 = arith.constant 32 : i32
      %add3A_145 = arith.addi %add3A_143, %add3A_144 : i32
      %dma_wait3A_146 = arith.constant 0 : i32
      %dma_wait3A_147 = tpu.memref_slice %arg2[%add3A_143, %dma_wait3A_146] : memref<24576x512xf32, #tpu.memory_space<hbm>> -> memref<32x512xf32, #tpu.memory_space<hbm>>
      %dma_wait3A_148 = arith.constant 0 : i32
      %dma_wait3A_149 = tpu.memref_slice %arg2[%add3A_143, %dma_wait3A_148] : memref<24576x512xf32, #tpu.memory_space<hbm>> -> memref<32x512xf32, #tpu.memory_space<hbm>>
      tpu.wait_dma2 semaphore(%arg12 : memref<!tpu.dma_semaphore, #tpu.memory_space<semaphore_mem>>) src(%dma_wait3A_149 : memref<32x512xf32, #tpu.memory_space<hbm>>) dst(%arg8 : memref<32x512xf32, #tpu.memory_space<vmem>>)
      %gt3A = arith.constant 0 : i32
      %gt3A_150 = arith.cmpi sgt, %scan3A_139, %gt3A : i32
      %convert_element_type3A = arith.extui %gt3A_150 : i1 to i32
      %cond3A = arith.constant 0 : i32
      %cond3A_151 = arith.cmpi ne, %convert_element_type3A, %cond3A : i32
      scf.if %cond3A_151 {
        %dma_wait3A_184 = arith.constant 0 : i32
        %dma_wait3A_185 = tpu.memref_slice %arg6[%add3A_143, %dma_wait3A_184] : memref<8192x512xf32, #tpu.memory_space<hbm>> -> memref<32x512xf32, #tpu.memory_space<hbm>>
        %dma_wait3A_186 = arith.constant 0 : i32
        %dma_wait3A_187 = tpu.memref_slice %arg6[%add3A_143, %dma_wait3A_186] : memref<8192x512xf32, #tpu.memory_space<hbm>> -> memref<32x512xf32, #tpu.memory_space<hbm>>
        tpu.wait_dma2 semaphore(%arg14 : memref<!tpu.dma_semaphore, #tpu.memory_space<semaphore_mem>>) src(%arg10 : memref<32x512xf32, #tpu.memory_space<vmem>>) dst(%dma_wait3A_187 : memref<32x512xf32, #tpu.memory_space<hbm>>)
      } else {
      }
      %parallel_loop3A = arith.constant 0 : i32
      %parallel_loop3A_152 = arith.constant 1024 : i32
      %parallel_loop3A_153 = arith.constant 1 : i32
      scf.for %parallel_loop3A_184 = %parallel_loop3A to %parallel_loop3A_152 step %parallel_loop3A_153  : i32 {
        %parallel_loop3A_185 = arith.constant 5 : i32
        %parallel_loop3A_186 = arith.shrsi %parallel_loop3A_184, %parallel_loop3A_185 : i32
        %parallel_loop3A_187 = arith.constant 31 : i32
        %parallel_loop3A_188 = arith.andi %parallel_loop3A_184, %parallel_loop3A_187 : i32
        %parallel_loop3A_189 = arith.constant 16 : i32
        %parallel_loop3A_190 = arith.muli %parallel_loop3A_188, %parallel_loop3A_189 : i32
        %parallel_loop3A_191 = arith.index_cast %parallel_loop3A_186 : i32 to index
        %parallel_loop3A_192 = arith.index_cast %parallel_loop3A_190 : i32 to index
        %parallel_loop3A_193 = tpu.vector_load %arg8[%parallel_loop3A_191, %parallel_loop3A_192] {strides = array<i32>} : memref<32x512xf32, #tpu.memory_space<vmem>>, vector<1x16xf32>,
        %parallel_loop3A_194 = vector.shape_cast %parallel_loop3A_193 : vector<1x16xf32> to vector<16xf32>
        %parallel_loop3A_195 = arith.constant 0.000000e+00 : f32
        %parallel_loop3A_196 = vector.broadcast %parallel_loop3A_195 : f32 to vector<16xf32>
        %parallel_loop3A_197 = arith.maximumf %parallel_loop3A_194, %parallel_loop3A_196 : vector<16xf32>
        %parallel_loop3A_198 = arith.constant 1.000000e+00 : f32
        %parallel_loop3A_199 = vector.broadcast %parallel_loop3A_198 : f32 to vector<16xf32>
        %parallel_loop3A_200 = arith.minimumf %parallel_loop3A_197, %parallel_loop3A_199 : vector<16xf32>
        %parallel_loop3A_201 = arith.cmpf ogt, %parallel_loop3A_200, %gather3A_110 : vector<16xf32>
        %parallel_loop3A_202 = arith.cmpf ogt, %parallel_loop3A_200, %gather3A_105 : vector<16xf32>
        %parallel_loop3A_203 = arith.cmpf ogt, %parallel_loop3A_200, %gather3A_100 : vector<16xf32>
        %parallel_loop3A_204 = arith.cmpf ogt, %parallel_loop3A_200, %gather3A_95 : vector<16xf32>
        %parallel_loop3A_205 = arith.constant 1 : i32
        %parallel_loop3A_206 = arith.constant 0 : i32
        %parallel_loop3A_207 = vector.broadcast %parallel_loop3A_205 : i32 to vector<16xi32>
        %parallel_loop3A_208 = vector.broadcast %parallel_loop3A_206 : i32 to vector<16xi32>
        %parallel_loop3A_209 = arith.select %parallel_loop3A_204, %parallel_loop3A_207, %parallel_loop3A_208 : vector<16xi1>, vector<16xi32>
        %parallel_loop3A_210 = arith.constant 2 : i32
        %parallel_loop3A_211 = vector.broadcast %parallel_loop3A_210 : i32 to vector<16xi32>
        %parallel_loop3A_212 = arith.select %parallel_loop3A_203, %parallel_loop3A_211, %parallel_loop3A_209 : vector<16xi1>, vector<16xi32>
        %parallel_loop3A_213 = arith.constant 3 : i32
        %parallel_loop3A_214 = vector.broadcast %parallel_loop3A_213 : i32 to vector<16xi32>
        %parallel_loop3A_215 = arith.select %parallel_loop3A_202, %parallel_loop3A_214, %parallel_loop3A_212 : vector<16xi1>, vector<16xi32>
        %parallel_loop3A_216 = arith.constant 4 : i32
        %parallel_loop3A_217 = vector.broadcast %parallel_loop3A_216 : i32 to vector<16xi32>
        %parallel_loop3A_218 = arith.select %parallel_loop3A_201, %parallel_loop3A_217, %parallel_loop3A_215 : vector<16xi1>, vector<16xi32>
        %parallel_loop3A_219 = vector.shape_cast %parallel_loop3A_218 : vector<16xi32> to vector<16x1xi32>
        %parallel_loop3A_220 = vector.shape_cast %parallel_loop3A_219 : vector<16x1xi32> to vector<16xi32>
        %parallel_loop3A_221 = tpu.dynamic_gather %select_n3A_70[%parallel_loop3A_220] in [0] : vector<16xf32>, vector<16xi32> -> vector<16xf32>
        %parallel_loop3A_222 = vector.shape_cast %parallel_loop3A_218 : vector<16xi32> to vector<16x1xi32>
        %parallel_loop3A_223 = vector.shape_cast %parallel_loop3A_222 : vector<16x1xi32> to vector<16xi32>
        %parallel_loop3A_224 = tpu.dynamic_gather %div3A_75[%parallel_loop3A_223] in [0] : vector<16xf32>, vector<16xi32> -> vector<16xf32>
        %parallel_loop3A_225 = vector.shape_cast %parallel_loop3A_218 : vector<16xi32> to vector<16x1xi32>
        %parallel_loop3A_226 = vector.shape_cast %parallel_loop3A_225 : vector<16x1xi32> to vector<16xi32>
        %parallel_loop3A_227 = tpu.dynamic_gather %get3A_7[%parallel_loop3A_226] in [0] : vector<16xf32>, vector<16xi32> -> vector<16xf32>
        %parallel_loop3A_228 = vector.shape_cast %parallel_loop3A_218 : vector<16xi32> to vector<16x1xi32>
        %parallel_loop3A_229 = vector.shape_cast %parallel_loop3A_228 : vector<16x1xi32> to vector<16xi32>
        %parallel_loop3A_230 = tpu.dynamic_gather %sub3A_79[%parallel_loop3A_229] in [0] : vector<16xf32>, vector<16xi32> -> vector<16xf32>
        %parallel_loop3A_231 = vector.shape_cast %parallel_loop3A_218 : vector<16xi32> to vector<16x1xi32>
        %parallel_loop3A_232 = vector.shape_cast %parallel_loop3A_231 : vector<16x1xi32> to vector<16xi32>
        %parallel_loop3A_233 = tpu.dynamic_gather %sub3A_85[%parallel_loop3A_232] in [0] : vector<16xf32>, vector<16xi32> -> vector<16xf32>
        %parallel_loop3A_234 = vector.shape_cast %parallel_loop3A_218 : vector<16xi32> to vector<16x1xi32>
        %parallel_loop3A_235 = vector.shape_cast %parallel_loop3A_234 : vector<16x1xi32> to vector<16xi32>
        %parallel_loop3A_236 = tpu.dynamic_gather %add3A_86[%parallel_loop3A_235] in [0] : vector<16xf32>, vector<16xi32> -> vector<16xf32>
        %parallel_loop3A_237 = vector.shape_cast %parallel_loop3A_218 : vector<16xi32> to vector<16x1xi32>
        %parallel_loop3A_238 = vector.shape_cast %parallel_loop3A_237 : vector<16x1xi32> to vector<16xi32>
        %parallel_loop3A_239 = tpu.dynamic_gather %sub3A_90[%parallel_loop3A_238] in [0] : vector<16xf32>, vector<16xi32> -> vector<16xf32>
        %parallel_loop3A_240 = arith.subf %parallel_loop3A_200, %parallel_loop3A_221 : vector<16xf32>
        %parallel_loop3A_241 = arith.mulf %parallel_loop3A_240, %parallel_loop3A_224 : vector<16xf32>
        %parallel_loop3A_242 = arith.mulf %parallel_loop3A_241, %parallel_loop3A_241 : vector<16xf32>
        %parallel_loop3A_243 = arith.mulf %parallel_loop3A_233, %parallel_loop3A_241 : vector<16xf32>
        %parallel_loop3A_244 = arith.addf %parallel_loop3A_243, %broadcast_in_dim3A_112 : vector<16xf32>
        %parallel_loop3A_245 = arith.mulf %parallel_loop3A_244, %parallel_loop3A_241 : vector<16xf32>
        %parallel_loop3A_246 = arith.mulf %parallel_loop3A_236, %parallel_loop3A_242 : vector<16xf32>
        %parallel_loop3A_247 = arith.mulf %parallel_loop3A_239, %parallel_loop3A_241 : vector<16xf32>
        %parallel_loop3A_248 = arith.addf %parallel_loop3A_247, %broadcast_in_dim3A_112 : vector<16xf32>
        %parallel_loop3A_249 = arith.addf %parallel_loop3A_246, %parallel_loop3A_248 : vector<16xf32>
        %parallel_loop3A_250 = arith.divf %parallel_loop3A_245, %parallel_loop3A_249 : vector<16xf32>
        %parallel_loop3A_251 = arith.mulf %parallel_loop3A_230, %parallel_loop3A_250 : vector<16xf32>
        %parallel_loop3A_252 = arith.addf %parallel_loop3A_227, %parallel_loop3A_251 : vector<16xf32>
        %parallel_loop3A_253 = arith.index_cast %parallel_loop3A_186 : i32 to index
        %parallel_loop3A_254 = arith.index_cast %parallel_loop3A_190 : i32 to index
        %parallel_loop3A_255 = tpu.vector_load %arg10[%parallel_loop3A_253, %parallel_loop3A_254] {strides = array<i32>} : memref<32x512xf32, #tpu.memory_space<vmem>>, vector<1x16xf32>,
        %parallel_loop3A_256 = vector.shape_cast %parallel_loop3A_255 : vector<1x16xf32> to vector<16xf32>
        %parallel_loop3A_257 = vector.shape_cast %parallel_loop3A_252 : vector<16xf32> to vector<1x16xf32>
        tpu.vector_store %arg10[%parallel_loop3A_253, %parallel_loop3A_254], %parallel_loop3A_257 {strides = array<i32>} : memref<32x512xf32, #tpu.memory_space<vmem>>, vector<1x16xf32>,
      } {sc.loop_unroll_factor = 4 : i64, sc.parallel_access}
      %dma_start3A_154 = arith.constant 0 : i32
      %dma_start3A_155 = tpu.memref_slice %arg6[%add3A_143, %dma_start3A_154] : memref<8192x512xf32, #tpu.memory_space<hbm>> -> memref<32x512xf32, #tpu.memory_space<hbm>>
      %dma_start3A_156 = arith.constant 0 : i32
      %dma_start3A_157 = tpu.memref_slice %arg6[%add3A_143, %dma_start3A_156] : memref<8192x512xf32, #tpu.memory_space<hbm>> -> memref<32x512xf32, #tpu.memory_space<hbm>>
      tpu.enqueue_dma source(%arg10 : memref<32x512xf32, #tpu.memory_space<vmem>>) target(%dma_start3A_157 : memref<32x512xf32, #tpu.memory_space<hbm>>) target_semaphore(%arg14 : memref<!tpu.dma_semaphore, #tpu.memory_space<semaphore_mem>>)
      %lt3A = arith.constant 3 : i32
      %lt3A_158 = arith.cmpi slt, %scan3A_139, %lt3A : i32
      %convert_element_type3A_159 = arith.extui %lt3A_158 : i1 to i32
      %cond3A_160 = arith.constant 0 : i32
      %cond3A_161 = arith.cmpi ne, %convert_element_type3A_159, %cond3A_160 : i32
      scf.if %cond3A_161 {
        %add3A_184 = arith.constant 64 : i32
        %add3A_185 = arith.addi %add3A_143, %add3A_184 : i32
        %dma_start3A_186 = arith.constant 0 : i32
        %dma_start3A_187 = tpu.memref_slice %arg2[%add3A_185, %dma_start3A_186] : memref<24576x512xf32, #tpu.memory_space<hbm>> -> memref<32x512xf32, #tpu.memory_space<hbm>>
        %dma_start3A_188 = arith.constant 0 : i32
        %dma_start3A_189 = tpu.memref_slice %arg2[%add3A_185, %dma_start3A_188] : memref<24576x512xf32, #tpu.memory_space<hbm>> -> memref<32x512xf32, #tpu.memory_space<hbm>>
        tpu.enqueue_dma source(%dma_start3A_189 : memref<32x512xf32, #tpu.memory_space<hbm>>) target(%arg8 : memref<32x512xf32, #tpu.memory_space<vmem>>) target_semaphore(%arg12 : memref<!tpu.dma_semaphore, #tpu.memory_space<semaphore_mem>>)
      } else {
      }
      %dma_wait3A_162 = arith.constant 0 : i32
      %dma_wait3A_163 = tpu.memref_slice %arg2[%add3A_145, %dma_wait3A_162] : memref<24576x512xf32, #tpu.memory_space<hbm>> -> memref<32x512xf32, #tpu.memory_space<hbm>>
      %dma_wait3A_164 = arith.constant 0 : i32
      %dma_wait3A_165 = tpu.memref_slice %arg2[%add3A_145, %dma_wait3A_164] : memref<24576x512xf32, #tpu.memory_space<hbm>> -> memref<32x512xf32, #tpu.memory_space<hbm>>
      tpu.wait_dma2 semaphore(%arg13 : memref<!tpu.dma_semaphore, #tpu.memory_space<semaphore_mem>>) src(%dma_wait3A_165 : memref<32x512xf32, #tpu.memory_space<hbm>>) dst(%arg9 : memref<32x512xf32, #tpu.memory_space<vmem>>)
      %gt3A_166 = arith.constant 0 : i32
      %gt3A_167 = arith.cmpi sgt, %scan3A_139, %gt3A_166 : i32
      %convert_element_type3A_168 = arith.extui %gt3A_167 : i1 to i32
      %cond3A_169 = arith.constant 0 : i32
      %cond3A_170 = arith.cmpi ne, %convert_element_type3A_168, %cond3A_169 : i32
      scf.if %cond3A_170 {
        %dma_wait3A_184 = arith.constant 0 : i32
        %dma_wait3A_185 = tpu.memref_slice %arg6[%add3A_145, %dma_wait3A_184] : memref<8192x512xf32, #tpu.memory_space<hbm>> -> memref<32x512xf32, #tpu.memory_space<hbm>>
        %dma_wait3A_186 = arith.constant 0 : i32
        %dma_wait3A_187 = tpu.memref_slice %arg6[%add3A_145, %dma_wait3A_186] : memref<8192x512xf32, #tpu.memory_space<hbm>> -> memref<32x512xf32, #tpu.memory_space<hbm>>
        tpu.wait_dma2 semaphore(%arg15 : memref<!tpu.dma_semaphore, #tpu.memory_space<semaphore_mem>>) src(%arg11 : memref<32x512xf32, #tpu.memory_space<vmem>>) dst(%dma_wait3A_187 : memref<32x512xf32, #tpu.memory_space<hbm>>)
      } else {
      }
      %parallel_loop3A_171 = arith.constant 0 : i32
      %parallel_loop3A_172 = arith.constant 1024 : i32
      %parallel_loop3A_173 = arith.constant 1 : i32
      scf.for %parallel_loop3A_184 = %parallel_loop3A_171 to %parallel_loop3A_172 step %parallel_loop3A_173  : i32 {
        %parallel_loop3A_185 = arith.constant 5 : i32
        %parallel_loop3A_186 = arith.shrsi %parallel_loop3A_184, %parallel_loop3A_185 : i32
        %parallel_loop3A_187 = arith.constant 31 : i32
        %parallel_loop3A_188 = arith.andi %parallel_loop3A_184, %parallel_loop3A_187 : i32
        %parallel_loop3A_189 = arith.constant 16 : i32
        %parallel_loop3A_190 = arith.muli %parallel_loop3A_188, %parallel_loop3A_189 : i32
        %parallel_loop3A_191 = arith.index_cast %parallel_loop3A_186 : i32 to index
        %parallel_loop3A_192 = arith.index_cast %parallel_loop3A_190 : i32 to index
        %parallel_loop3A_193 = tpu.vector_load %arg9[%parallel_loop3A_191, %parallel_loop3A_192] {strides = array<i32>} : memref<32x512xf32, #tpu.memory_space<vmem>>, vector<1x16xf32>,
        %parallel_loop3A_194 = vector.shape_cast %parallel_loop3A_193 : vector<1x16xf32> to vector<16xf32>
        %parallel_loop3A_195 = arith.constant 0.000000e+00 : f32
        %parallel_loop3A_196 = vector.broadcast %parallel_loop3A_195 : f32 to vector<16xf32>
        %parallel_loop3A_197 = arith.maximumf %parallel_loop3A_194, %parallel_loop3A_196 : vector<16xf32>
        %parallel_loop3A_198 = arith.constant 1.000000e+00 : f32
        %parallel_loop3A_199 = vector.broadcast %parallel_loop3A_198 : f32 to vector<16xf32>
        %parallel_loop3A_200 = arith.minimumf %parallel_loop3A_197, %parallel_loop3A_199 : vector<16xf32>
        %parallel_loop3A_201 = arith.cmpf ogt, %parallel_loop3A_200, %gather3A_110 : vector<16xf32>
        %parallel_loop3A_202 = arith.cmpf ogt, %parallel_loop3A_200, %gather3A_105 : vector<16xf32>
        %parallel_loop3A_203 = arith.cmpf ogt, %parallel_loop3A_200, %gather3A_100 : vector<16xf32>
        %parallel_loop3A_204 = arith.cmpf ogt, %parallel_loop3A_200, %gather3A_95 : vector<16xf32>
        %parallel_loop3A_205 = arith.constant 1 : i32
        %parallel_loop3A_206 = arith.constant 0 : i32
        %parallel_loop3A_207 = vector.broadcast %parallel_loop3A_205 : i32 to vector<16xi32>
        %parallel_loop3A_208 = vector.broadcast %parallel_loop3A_206 : i32 to vector<16xi32>
        %parallel_loop3A_209 = arith.select %parallel_loop3A_204, %parallel_loop3A_207, %parallel_loop3A_208 : vector<16xi1>, vector<16xi32>
        %parallel_loop3A_210 = arith.constant 2 : i32
        %parallel_loop3A_211 = vector.broadcast %parallel_loop3A_210 : i32 to vector<16xi32>
        %parallel_loop3A_212 = arith.select %parallel_loop3A_203, %parallel_loop3A_211, %parallel_loop3A_209 : vector<16xi1>, vector<16xi32>
        %parallel_loop3A_213 = arith.constant 3 : i32
        %parallel_loop3A_214 = vector.broadcast %parallel_loop3A_213 : i32 to vector<16xi32>
        %parallel_loop3A_215 = arith.select %parallel_loop3A_202, %parallel_loop3A_214, %parallel_loop3A_212 : vector<16xi1>, vector<16xi32>
        %parallel_loop3A_216 = arith.constant 4 : i32
        %parallel_loop3A_217 = vector.broadcast %parallel_loop3A_216 : i32 to vector<16xi32>
        %parallel_loop3A_218 = arith.select %parallel_loop3A_201, %parallel_loop3A_217, %parallel_loop3A_215 : vector<16xi1>, vector<16xi32>
        %parallel_loop3A_219 = vector.shape_cast %parallel_loop3A_218 : vector<16xi32> to vector<16x1xi32>
        %parallel_loop3A_220 = vector.shape_cast %parallel_loop3A_219 : vector<16x1xi32> to vector<16xi32>
        %parallel_loop3A_221 = tpu.dynamic_gather %select_n3A_70[%parallel_loop3A_220] in [0] : vector<16xf32>, vector<16xi32> -> vector<16xf32>
        %parallel_loop3A_222 = vector.shape_cast %parallel_loop3A_218 : vector<16xi32> to vector<16x1xi32>
        %parallel_loop3A_223 = vector.shape_cast %parallel_loop3A_222 : vector<16x1xi32> to vector<16xi32>
        %parallel_loop3A_224 = tpu.dynamic_gather %div3A_75[%parallel_loop3A_223] in [0] : vector<16xf32>, vector<16xi32> -> vector<16xf32>
        %parallel_loop3A_225 = vector.shape_cast %parallel_loop3A_218 : vector<16xi32> to vector<16x1xi32>
        %parallel_loop3A_226 = vector.shape_cast %parallel_loop3A_225 : vector<16x1xi32> to vector<16xi32>
        %parallel_loop3A_227 = tpu.dynamic_gather %get3A_7[%parallel_loop3A_226] in [0] : vector<16xf32>, vector<16xi32> -> vector<16xf32>
        %parallel_loop3A_228 = vector.shape_cast %parallel_loop3A_218 : vector<16xi32> to vector<16x1xi32>
        %parallel_loop3A_229 = vector.shape_cast %parallel_loop3A_228 : vector<16x1xi32> to vector<16xi32>
        %parallel_loop3A_230 = tpu.dynamic_gather %sub3A_79[%parallel_loop3A_229] in [0] : vector<16xf32>, vector<16xi32> -> vector<16xf32>
        %parallel_loop3A_231 = vector.shape_cast %parallel_loop3A_218 : vector<16xi32> to vector<16x1xi32>
        %parallel_loop3A_232 = vector.shape_cast %parallel_loop3A_231 : vector<16x1xi32> to vector<16xi32>
        %parallel_loop3A_233 = tpu.dynamic_gather %sub3A_85[%parallel_loop3A_232] in [0] : vector<16xf32>, vector<16xi32> -> vector<16xf32>
        %parallel_loop3A_234 = vector.shape_cast %parallel_loop3A_218 : vector<16xi32> to vector<16x1xi32>
        %parallel_loop3A_235 = vector.shape_cast %parallel_loop3A_234 : vector<16x1xi32> to vector<16xi32>
        %parallel_loop3A_236 = tpu.dynamic_gather %add3A_86[%parallel_loop3A_235] in [0] : vector<16xf32>, vector<16xi32> -> vector<16xf32>
        %parallel_loop3A_237 = vector.shape_cast %parallel_loop3A_218 : vector<16xi32> to vector<16x1xi32>
        %parallel_loop3A_238 = vector.shape_cast %parallel_loop3A_237 : vector<16x1xi32> to vector<16xi32>
        %parallel_loop3A_239 = tpu.dynamic_gather %sub3A_90[%parallel_loop3A_238] in [0] : vector<16xf32>, vector<16xi32> -> vector<16xf32>
        %parallel_loop3A_240 = arith.subf %parallel_loop3A_200, %parallel_loop3A_221 : vector<16xf32>
        %parallel_loop3A_241 = arith.mulf %parallel_loop3A_240, %parallel_loop3A_224 : vector<16xf32>
        %parallel_loop3A_242 = arith.mulf %parallel_loop3A_241, %parallel_loop3A_241 : vector<16xf32>
        %parallel_loop3A_243 = arith.mulf %parallel_loop3A_233, %parallel_loop3A_241 : vector<16xf32>
        %parallel_loop3A_244 = arith.addf %parallel_loop3A_243, %broadcast_in_dim3A_112 : vector<16xf32>
        %parallel_loop3A_245 = arith.mulf %parallel_loop3A_244, %parallel_loop3A_241 : vector<16xf32>
        %parallel_loop3A_246 = arith.mulf %parallel_loop3A_236, %parallel_loop3A_242 : vector<16xf32>
        %parallel_loop3A_247 = arith.mulf %parallel_loop3A_239, %parallel_loop3A_241 : vector<16xf32>
        %parallel_loop3A_248 = arith.addf %parallel_loop3A_247, %broadcast_in_dim3A_112 : vector<16xf32>
        %parallel_loop3A_249 = arith.addf %parallel_loop3A_246, %parallel_loop3A_248 : vector<16xf32>
        %parallel_loop3A_250 = arith.divf %parallel_loop3A_245, %parallel_loop3A_249 : vector<16xf32>
        %parallel_loop3A_251 = arith.mulf %parallel_loop3A_230, %parallel_loop3A_250 : vector<16xf32>
        %parallel_loop3A_252 = arith.addf %parallel_loop3A_227, %parallel_loop3A_251 : vector<16xf32>
        %parallel_loop3A_253 = arith.index_cast %parallel_loop3A_186 : i32 to index
        %parallel_loop3A_254 = arith.index_cast %parallel_loop3A_190 : i32 to index
        %parallel_loop3A_255 = tpu.vector_load %arg11[%parallel_loop3A_253, %parallel_loop3A_254] {strides = array<i32>} : memref<32x512xf32, #tpu.memory_space<vmem>>, vector<1x16xf32>,
        %parallel_loop3A_256 = vector.shape_cast %parallel_loop3A_255 : vector<1x16xf32> to vector<16xf32>
        %parallel_loop3A_257 = vector.shape_cast %parallel_loop3A_252 : vector<16xf32> to vector<1x16xf32>
        tpu.vector_store %arg11[%parallel_loop3A_253, %parallel_loop3A_254], %parallel_loop3A_257 {strides = array<i32>} : memref<32x512xf32, #tpu.memory_space<vmem>>, vector<1x16xf32>,
      } {sc.loop_unroll_factor = 4 : i64, sc.parallel_access}
      %dma_start3A_174 = arith.constant 0 : i32
      %dma_start3A_175 = tpu.memref_slice %arg6[%add3A_145, %dma_start3A_174] : memref<8192x512xf32, #tpu.memory_space<hbm>> -> memref<32x512xf32, #tpu.memory_space<hbm>>
      %dma_start3A_176 = arith.constant 0 : i32
      %dma_start3A_177 = tpu.memref_slice %arg6[%add3A_145, %dma_start3A_176] : memref<8192x512xf32, #tpu.memory_space<hbm>> -> memref<32x512xf32, #tpu.memory_space<hbm>>
      tpu.enqueue_dma source(%arg11 : memref<32x512xf32, #tpu.memory_space<vmem>>) target(%dma_start3A_177 : memref<32x512xf32, #tpu.memory_space<hbm>>) target_semaphore(%arg15 : memref<!tpu.dma_semaphore, #tpu.memory_space<semaphore_mem>>)
      %lt3A_178 = arith.constant 3 : i32
      %lt3A_179 = arith.cmpi slt, %scan3A_139, %lt3A_178 : i32
      %convert_element_type3A_180 = arith.extui %lt3A_179 : i1 to i32
      %cond3A_181 = arith.constant 0 : i32
      %cond3A_182 = arith.cmpi ne, %convert_element_type3A_180, %cond3A_181 : i32
      scf.if %cond3A_182 {
        %add3A_184 = arith.constant 64 : i32
        %add3A_185 = arith.addi %add3A_145, %add3A_184 : i32
        %dma_start3A_186 = arith.constant 0 : i32
        %dma_start3A_187 = tpu.memref_slice %arg2[%add3A_185, %dma_start3A_186] : memref<24576x512xf32, #tpu.memory_space<hbm>> -> memref<32x512xf32, #tpu.memory_space<hbm>>
        %dma_start3A_188 = arith.constant 0 : i32
        %dma_start3A_189 = tpu.memref_slice %arg2[%add3A_185, %dma_start3A_188] : memref<24576x512xf32, #tpu.memory_space<hbm>> -> memref<32x512xf32, #tpu.memory_space<hbm>>
        tpu.enqueue_dma source(%dma_start3A_189 : memref<32x512xf32, #tpu.memory_space<hbm>>) target(%arg9 : memref<32x512xf32, #tpu.memory_space<vmem>>) target_semaphore(%arg13 : memref<!tpu.dma_semaphore, #tpu.memory_space<semaphore_mem>>)
      } else {
      }
      %scan3A_183 = arith.constant 0 : i32
      scf.yield %scan3A_183 : i32
    }
    %scan3A_127 = arith.constant 4 : i32
    %add3A_128 = arith.constant 192 : i32
    %add3A_129 = arith.addi %mul3A_2, %add3A_128 : i32
    %dma_wait3A = arith.constant 0 : i32
    %dma_wait3A_130 = tpu.memref_slice %arg6[%add3A_129, %dma_wait3A] : memref<8192x512xf32, #tpu.memory_space<hbm>> -> memref<32x512xf32, #tpu.memory_space<hbm>>
    %dma_wait3A_131 = arith.constant 0 : i32
    %dma_wait3A_132 = tpu.memref_slice %arg6[%add3A_129, %dma_wait3A_131] : memref<8192x512xf32, #tpu.memory_space<hbm>> -> memref<32x512xf32, #tpu.memory_space<hbm>>
    tpu.wait_dma2 semaphore(%arg14 : memref<!tpu.dma_semaphore, #tpu.memory_space<semaphore_mem>>) src(%arg10 : memref<32x512xf32, #tpu.memory_space<vmem>>) dst(%dma_wait3A_132 : memref<32x512xf32, #tpu.memory_space<hbm>>)
    %add3A_133 = arith.constant 32 : i32
    %add3A_134 = arith.addi %add3A_129, %add3A_133 : i32
    %dma_wait3A_135 = arith.constant 0 : i32
    %dma_wait3A_136 = tpu.memref_slice %arg6[%add3A_134, %dma_wait3A_135] : memref<8192x512xf32, #tpu.memory_space<hbm>> -> memref<32x512xf32, #tpu.memory_space<hbm>>
    %dma_wait3A_137 = arith.constant 0 : i32
    %dma_wait3A_138 = tpu.memref_slice %arg6[%add3A_134, %dma_wait3A_137] : memref<8192x512xf32, #tpu.memory_space<hbm>> -> memref<32x512xf32, #tpu.memory_space<hbm>>
    tpu.wait_dma2 semaphore(%arg15 : memref<!tpu.dma_semaphore, #tpu.memory_space<semaphore_mem>>) src(%arg11 : memref<32x512xf32, #tpu.memory_space<vmem>>) dst(%dma_wait3A_138 : memref<32x512xf32, #tpu.memory_space<hbm>>)
    return
  }
}

module attributes {stable_mosaic.version = 14 : i64} {
  func.func @body(%arg0: i32, %arg1: memref<5xf32, #tpu.memory_space<smem>>, %arg2: memref<6xf32, #tpu.memory_space<smem>>, %arg3: memref<6xf32, #tpu.memory_space<smem>>, %arg4: memref<1024x512xf32, #tpu.memory_space<vmem>>, %arg5: memref<1024x512xf32, #tpu.memory_space<vmem>>, %arg6: memref<40xf32, #tpu.memory_space<smem>>) attributes {dimension_semantics = [#tpu.dimension_semantics<arbitrary>], iteration_bounds = array<i64: 16>, scalar_prefetch = 0 : i64, scratch_operands = 1 : i64, tpu.core_type = #tpu.core_type<tc>, window_params = [{transform_indices = @transform_0, window_bounds = array<i64: 5>}, {transform_indices = @transform_1, window_bounds = array<i64: 6>}, {transform_indices = @transform_2, window_bounds = array<i64: 6>}, {transform_indices = @transform_3, window_bounds = array<i64: 1024, 512>}, {transform_indices = @transform_4, window_bounds = array<i64: 1024, 512>}]} {
    %eq3A = arith.constant 0 : i32
    %eq3A_0 = arith.cmpi eq, %arg0, %eq3A : i32
    %convert_element_type3A = arith.extui %eq3A_0 : i1 to i32
    %cond3A = arith.constant 0 : i32
    %cond3A_1 = arith.cmpi ne, %convert_element_type3A, %cond3A : i32
    scf.if %cond3A_1 {
      %get3A_154 = arith.constant 0 : index
      %get3A_155 = memref.load %arg1[%get3A_154] : memref<5xf32, #tpu.memory_space<smem>>
      %swap3A_156 = arith.constant 35 : index
      %swap3A_157 = memref.load %arg6[%swap3A_156] : memref<40xf32, #tpu.memory_space<smem>>
      memref.store %get3A_155, %arg6[%swap3A_156] : memref<40xf32, #tpu.memory_space<smem>>
      %get3A_158 = arith.constant 1 : index
      %get3A_159 = memref.load %arg1[%get3A_158] : memref<5xf32, #tpu.memory_space<smem>>
      %add3A_160 = arith.addf %get3A_155, %get3A_159 : f32
      %swap3A_161 = arith.constant 36 : index
      %swap3A_162 = memref.load %arg6[%swap3A_161] : memref<40xf32, #tpu.memory_space<smem>>
      memref.store %add3A_160, %arg6[%swap3A_161] : memref<40xf32, #tpu.memory_space<smem>>
      %get3A_163 = arith.constant 2 : index
      %get3A_164 = memref.load %arg1[%get3A_163] : memref<5xf32, #tpu.memory_space<smem>>
      %add3A_165 = arith.addf %add3A_160, %get3A_164 : f32
      %swap3A_166 = arith.constant 37 : index
      %swap3A_167 = memref.load %arg6[%swap3A_166] : memref<40xf32, #tpu.memory_space<smem>>
      memref.store %add3A_165, %arg6[%swap3A_166] : memref<40xf32, #tpu.memory_space<smem>>
      %get3A_168 = arith.constant 3 : index
      %get3A_169 = memref.load %arg1[%get3A_168] : memref<5xf32, #tpu.memory_space<smem>>
      %add3A_170 = arith.addf %add3A_165, %get3A_169 : f32
      %swap3A_171 = arith.constant 38 : index
      %swap3A_172 = memref.load %arg6[%swap3A_171] : memref<40xf32, #tpu.memory_space<smem>>
      memref.store %add3A_170, %arg6[%swap3A_171] : memref<40xf32, #tpu.memory_space<smem>>
      %get3A_173 = arith.constant 4 : index
      %get3A_174 = memref.load %arg1[%get3A_173] : memref<5xf32, #tpu.memory_space<smem>>
      %add3A_175 = arith.addf %add3A_170, %get3A_174 : f32
      %swap3A_176 = arith.constant 39 : index
      %swap3A_177 = memref.load %arg6[%swap3A_176] : memref<40xf32, #tpu.memory_space<smem>>
      memref.store %add3A_175, %arg6[%swap3A_176] : memref<40xf32, #tpu.memory_space<smem>>
      %swap3A_178 = arith.constant 0.000000e+00 : f32
      %swap3A_179 = arith.constant 0 : index
      %swap3A_180 = memref.load %arg6[%swap3A_179] : memref<40xf32, #tpu.memory_space<smem>>
      memref.store %swap3A_178, %arg6[%swap3A_179] : memref<40xf32, #tpu.memory_space<smem>>
      %get3A_181 = arith.constant 0 : index
      %get3A_182 = memref.load %arg1[%get3A_181] : memref<5xf32, #tpu.memory_space<smem>>
      %add3A_183 = arith.constant 9.99999993E-9 : f32
      %add3A_184 = arith.addf %get3A_182, %add3A_183 : f32
      %div3A_185 = arith.constant 1.000000e+00 : f32
      %div3A_186 = arith.divf %div3A_185, %add3A_184 : f32
      %swap3A_187 = arith.constant 5 : index
      %swap3A_188 = memref.load %arg6[%swap3A_187] : memref<40xf32, #tpu.memory_space<smem>>
      memref.store %div3A_186, %arg6[%swap3A_187] : memref<40xf32, #tpu.memory_space<smem>>
      %get3A_189 = arith.constant 0 : index
      %get3A_190 = memref.load %arg2[%get3A_189] : memref<6xf32, #tpu.memory_space<smem>>
      %swap3A_191 = arith.constant 10 : index
      %swap3A_192 = memref.load %arg6[%swap3A_191] : memref<40xf32, #tpu.memory_space<smem>>
      memref.store %get3A_190, %arg6[%swap3A_191] : memref<40xf32, #tpu.memory_space<smem>>
      %get3A_193 = arith.constant 1 : index
      %get3A_194 = memref.load %arg2[%get3A_193] : memref<6xf32, #tpu.memory_space<smem>>
      %get3A_195 = arith.constant 0 : index
      %get3A_196 = memref.load %arg2[%get3A_195] : memref<6xf32, #tpu.memory_space<smem>>
      %sub3A_197 = arith.subf %get3A_194, %get3A_196 : f32
      %swap3A_198 = arith.constant 15 : index
      %swap3A_199 = memref.load %arg6[%swap3A_198] : memref<40xf32, #tpu.memory_space<smem>>
      memref.store %sub3A_197, %arg6[%swap3A_198] : memref<40xf32, #tpu.memory_space<smem>>
      %get3A_200 = arith.constant 0 : index
      %get3A_201 = memref.load %arg3[%get3A_200] : memref<6xf32, #tpu.memory_space<smem>>
      %sub3A_202 = arith.constant 2.000000e+00 : f32
      %sub3A_203 = arith.subf %get3A_201, %sub3A_202 : f32
      %swap3A_204 = arith.constant 20 : index
      %swap3A_205 = memref.load %arg6[%swap3A_204] : memref<40xf32, #tpu.memory_space<smem>>
      memref.store %sub3A_203, %arg6[%swap3A_204] : memref<40xf32, #tpu.memory_space<smem>>
      %get3A_206 = arith.constant 0 : index
      %get3A_207 = memref.load %arg3[%get3A_206] : memref<6xf32, #tpu.memory_space<smem>>
      %get3A_208 = arith.constant 1 : index
      %get3A_209 = memref.load %arg3[%get3A_208] : memref<6xf32, #tpu.memory_space<smem>>
      %add3A_210 = arith.addf %get3A_207, %get3A_209 : f32
      %swap3A_211 = arith.constant 25 : index
      %swap3A_212 = memref.load %arg6[%swap3A_211] : memref<40xf32, #tpu.memory_space<smem>>
      memref.store %add3A_210, %arg6[%swap3A_211] : memref<40xf32, #tpu.memory_space<smem>>
      %get3A_213 = arith.constant 35 : index
      %get3A_214 = memref.load %arg6[%get3A_213] : memref<40xf32, #tpu.memory_space<smem>>
      %swap3A_215 = arith.constant 1 : index
      %swap3A_216 = memref.load %arg6[%swap3A_215] : memref<40xf32, #tpu.memory_space<smem>>
      memref.store %get3A_214, %arg6[%swap3A_215] : memref<40xf32, #tpu.memory_space<smem>>
      %get3A_217 = arith.constant 1 : index
      %get3A_218 = memref.load %arg1[%get3A_217] : memref<5xf32, #tpu.memory_space<smem>>
      %add3A_219 = arith.constant 9.99999993E-9 : f32
      %add3A_220 = arith.addf %get3A_218, %add3A_219 : f32
      %div3A_221 = arith.constant 1.000000e+00 : f32
      %div3A_222 = arith.divf %div3A_221, %add3A_220 : f32
      %swap3A_223 = arith.constant 6 : index
      %swap3A_224 = memref.load %arg6[%swap3A_223] : memref<40xf32, #tpu.memory_space<smem>>
      memref.store %div3A_222, %arg6[%swap3A_223] : memref<40xf32, #tpu.memory_space<smem>>
      %get3A_225 = arith.constant 1 : index
      %get3A_226 = memref.load %arg2[%get3A_225] : memref<6xf32, #tpu.memory_space<smem>>
      %swap3A_227 = arith.constant 11 : index
      %swap3A_228 = memref.load %arg6[%swap3A_227] : memref<40xf32, #tpu.memory_space<smem>>
      memref.store %get3A_226, %arg6[%swap3A_227] : memref<40xf32, #tpu.memory_space<smem>>
      %get3A_229 = arith.constant 2 : index
      %get3A_230 = memref.load %arg2[%get3A_229] : memref<6xf32, #tpu.memory_space<smem>>
      %get3A_231 = arith.constant 1 : index
      %get3A_232 = memref.load %arg2[%get3A_231] : memref<6xf32, #tpu.memory_space<smem>>
      %sub3A_233 = arith.subf %get3A_230, %get3A_232 : f32
      %swap3A_234 = arith.constant 16 : index
      %swap3A_235 = memref.load %arg6[%swap3A_234] : memref<40xf32, #tpu.memory_space<smem>>
      memref.store %sub3A_233, %arg6[%swap3A_234] : memref<40xf32, #tpu.memory_space<smem>>
      %get3A_236 = arith.constant 1 : index
      %get3A_237 = memref.load %arg3[%get3A_236] : memref<6xf32, #tpu.memory_space<smem>>
      %sub3A_238 = arith.constant 2.000000e+00 : f32
      %sub3A_239 = arith.subf %get3A_237, %sub3A_238 : f32
      %swap3A_240 = arith.constant 21 : index
      %swap3A_241 = memref.load %arg6[%swap3A_240] : memref<40xf32, #tpu.memory_space<smem>>
      memref.store %sub3A_239, %arg6[%swap3A_240] : memref<40xf32, #tpu.memory_space<smem>>
      %get3A_242 = arith.constant 1 : index
      %get3A_243 = memref.load %arg3[%get3A_242] : memref<6xf32, #tpu.memory_space<smem>>
      %get3A_244 = arith.constant 2 : index
      %get3A_245 = memref.load %arg3[%get3A_244] : memref<6xf32, #tpu.memory_space<smem>>
      %add3A_246 = arith.addf %get3A_243, %get3A_245 : f32
      %swap3A_247 = arith.constant 26 : index
      %swap3A_248 = memref.load %arg6[%swap3A_247] : memref<40xf32, #tpu.memory_space<smem>>
      memref.store %add3A_246, %arg6[%swap3A_247] : memref<40xf32, #tpu.memory_space<smem>>
      %get3A_249 = arith.constant 36 : index
      %get3A_250 = memref.load %arg6[%get3A_249] : memref<40xf32, #tpu.memory_space<smem>>
      %swap3A_251 = arith.constant 2 : index
      %swap3A_252 = memref.load %arg6[%swap3A_251] : memref<40xf32, #tpu.memory_space<smem>>
      memref.store %get3A_250, %arg6[%swap3A_251] : memref<40xf32, #tpu.memory_space<smem>>
      %get3A_253 = arith.constant 2 : index
      %get3A_254 = memref.load %arg1[%get3A_253] : memref<5xf32, #tpu.memory_space<smem>>
      %add3A_255 = arith.constant 9.99999993E-9 : f32
      %add3A_256 = arith.addf %get3A_254, %add3A_255 : f32
      %div3A_257 = arith.constant 1.000000e+00 : f32
      %div3A_258 = arith.divf %div3A_257, %add3A_256 : f32
      %swap3A_259 = arith.constant 7 : index
      %swap3A_260 = memref.load %arg6[%swap3A_259] : memref<40xf32, #tpu.memory_space<smem>>
      memref.store %div3A_258, %arg6[%swap3A_259] : memref<40xf32, #tpu.memory_space<smem>>
      %get3A_261 = arith.constant 2 : index
      %get3A_262 = memref.load %arg2[%get3A_261] : memref<6xf32, #tpu.memory_space<smem>>
      %swap3A_263 = arith.constant 12 : index
      %swap3A_264 = memref.load %arg6[%swap3A_263] : memref<40xf32, #tpu.memory_space<smem>>
      memref.store %get3A_262, %arg6[%swap3A_263] : memref<40xf32, #tpu.memory_space<smem>>
      %get3A_265 = arith.constant 3 : index
      %get3A_266 = memref.load %arg2[%get3A_265] : memref<6xf32, #tpu.memory_space<smem>>
      %get3A_267 = arith.constant 2 : index
      %get3A_268 = memref.load %arg2[%get3A_267] : memref<6xf32, #tpu.memory_space<smem>>
      %sub3A_269 = arith.subf %get3A_266, %get3A_268 : f32
      %swap3A_270 = arith.constant 17 : index
      %swap3A_271 = memref.load %arg6[%swap3A_270] : memref<40xf32, #tpu.memory_space<smem>>
      memref.store %sub3A_269, %arg6[%swap3A_270] : memref<40xf32, #tpu.memory_space<smem>>
      %get3A_272 = arith.constant 2 : index
      %get3A_273 = memref.load %arg3[%get3A_272] : memref<6xf32, #tpu.memory_space<smem>>
      %sub3A_274 = arith.constant 2.000000e+00 : f32
      %sub3A_275 = arith.subf %get3A_273, %sub3A_274 : f32
      %swap3A_276 = arith.constant 22 : index
      %swap3A_277 = memref.load %arg6[%swap3A_276] : memref<40xf32, #tpu.memory_space<smem>>
      memref.store %sub3A_275, %arg6[%swap3A_276] : memref<40xf32, #tpu.memory_space<smem>>
      %get3A_278 = arith.constant 2 : index
      %get3A_279 = memref.load %arg3[%get3A_278] : memref<6xf32, #tpu.memory_space<smem>>
      %get3A_280 = arith.constant 3 : index
      %get3A_281 = memref.load %arg3[%get3A_280] : memref<6xf32, #tpu.memory_space<smem>>
      %add3A_282 = arith.addf %get3A_279, %get3A_281 : f32
      %swap3A_283 = arith.constant 27 : index
      %swap3A_284 = memref.load %arg6[%swap3A_283] : memref<40xf32, #tpu.memory_space<smem>>
      memref.store %add3A_282, %arg6[%swap3A_283] : memref<40xf32, #tpu.memory_space<smem>>
      %get3A_285 = arith.constant 37 : index
      %get3A_286 = memref.load %arg6[%get3A_285] : memref<40xf32, #tpu.memory_space<smem>>
      %swap3A_287 = arith.constant 3 : index
      %swap3A_288 = memref.load %arg6[%swap3A_287] : memref<40xf32, #tpu.memory_space<smem>>
      memref.store %get3A_286, %arg6[%swap3A_287] : memref<40xf32, #tpu.memory_space<smem>>
      %get3A_289 = arith.constant 3 : index
      %get3A_290 = memref.load %arg1[%get3A_289] : memref<5xf32, #tpu.memory_space<smem>>
      %add3A_291 = arith.constant 9.99999993E-9 : f32
      %add3A_292 = arith.addf %get3A_290, %add3A_291 : f32
      %div3A_293 = arith.constant 1.000000e+00 : f32
      %div3A_294 = arith.divf %div3A_293, %add3A_292 : f32
      %swap3A_295 = arith.constant 8 : index
      %swap3A_296 = memref.load %arg6[%swap3A_295] : memref<40xf32, #tpu.memory_space<smem>>
      memref.store %div3A_294, %arg6[%swap3A_295] : memref<40xf32, #tpu.memory_space<smem>>
      %get3A_297 = arith.constant 3 : index
      %get3A_298 = memref.load %arg2[%get3A_297] : memref<6xf32, #tpu.memory_space<smem>>
      %swap3A_299 = arith.constant 13 : index
      %swap3A_300 = memref.load %arg6[%swap3A_299] : memref<40xf32, #tpu.memory_space<smem>>
      memref.store %get3A_298, %arg6[%swap3A_299] : memref<40xf32, #tpu.memory_space<smem>>
      %get3A_301 = arith.constant 4 : index
      %get3A_302 = memref.load %arg2[%get3A_301] : memref<6xf32, #tpu.memory_space<smem>>
      %get3A_303 = arith.constant 3 : index
      %get3A_304 = memref.load %arg2[%get3A_303] : memref<6xf32, #tpu.memory_space<smem>>
      %sub3A_305 = arith.subf %get3A_302, %get3A_304 : f32
      %swap3A_306 = arith.constant 18 : index
      %swap3A_307 = memref.load %arg6[%swap3A_306] : memref<40xf32, #tpu.memory_space<smem>>
      memref.store %sub3A_305, %arg6[%swap3A_306] : memref<40xf32, #tpu.memory_space<smem>>
      %get3A_308 = arith.constant 3 : index
      %get3A_309 = memref.load %arg3[%get3A_308] : memref<6xf32, #tpu.memory_space<smem>>
      %sub3A_310 = arith.constant 2.000000e+00 : f32
      %sub3A_311 = arith.subf %get3A_309, %sub3A_310 : f32
      %swap3A_312 = arith.constant 23 : index
      %swap3A_313 = memref.load %arg6[%swap3A_312] : memref<40xf32, #tpu.memory_space<smem>>
      memref.store %sub3A_311, %arg6[%swap3A_312] : memref<40xf32, #tpu.memory_space<smem>>
      %get3A_314 = arith.constant 3 : index
      %get3A_315 = memref.load %arg3[%get3A_314] : memref<6xf32, #tpu.memory_space<smem>>
      %get3A_316 = arith.constant 4 : index
      %get3A_317 = memref.load %arg3[%get3A_316] : memref<6xf32, #tpu.memory_space<smem>>
      %add3A_318 = arith.addf %get3A_315, %get3A_317 : f32
      %swap3A_319 = arith.constant 28 : index
      %swap3A_320 = memref.load %arg6[%swap3A_319] : memref<40xf32, #tpu.memory_space<smem>>
      memref.store %add3A_318, %arg6[%swap3A_319] : memref<40xf32, #tpu.memory_space<smem>>
      %get3A_321 = arith.constant 38 : index
      %get3A_322 = memref.load %arg6[%get3A_321] : memref<40xf32, #tpu.memory_space<smem>>
      %swap3A_323 = arith.constant 4 : index
      %swap3A_324 = memref.load %arg6[%swap3A_323] : memref<40xf32, #tpu.memory_space<smem>>
      memref.store %get3A_322, %arg6[%swap3A_323] : memref<40xf32, #tpu.memory_space<smem>>
      %get3A_325 = arith.constant 4 : index
      %get3A_326 = memref.load %arg1[%get3A_325] : memref<5xf32, #tpu.memory_space<smem>>
      %add3A_327 = arith.constant 9.99999993E-9 : f32
      %add3A_328 = arith.addf %get3A_326, %add3A_327 : f32
      %div3A_329 = arith.constant 1.000000e+00 : f32
      %div3A_330 = arith.divf %div3A_329, %add3A_328 : f32
      %swap3A_331 = arith.constant 9 : index
      %swap3A_332 = memref.load %arg6[%swap3A_331] : memref<40xf32, #tpu.memory_space<smem>>
      memref.store %div3A_330, %arg6[%swap3A_331] : memref<40xf32, #tpu.memory_space<smem>>
      %get3A_333 = arith.constant 4 : index
      %get3A_334 = memref.load %arg2[%get3A_333] : memref<6xf32, #tpu.memory_space<smem>>
      %swap3A_335 = arith.constant 14 : index
      %swap3A_336 = memref.load %arg6[%swap3A_335] : memref<40xf32, #tpu.memory_space<smem>>
      memref.store %get3A_334, %arg6[%swap3A_335] : memref<40xf32, #tpu.memory_space<smem>>
      %get3A_337 = arith.constant 5 : index
      %get3A_338 = memref.load %arg2[%get3A_337] : memref<6xf32, #tpu.memory_space<smem>>
      %get3A_339 = arith.constant 4 : index
      %get3A_340 = memref.load %arg2[%get3A_339] : memref<6xf32, #tpu.memory_space<smem>>
      %sub3A_341 = arith.subf %get3A_338, %get3A_340 : f32
      %swap3A_342 = arith.constant 19 : index
      %swap3A_343 = memref.load %arg6[%swap3A_342] : memref<40xf32, #tpu.memory_space<smem>>
      memref.store %sub3A_341, %arg6[%swap3A_342] : memref<40xf32, #tpu.memory_space<smem>>
      %get3A_344 = arith.constant 4 : index
      %get3A_345 = memref.load %arg3[%get3A_344] : memref<6xf32, #tpu.memory_space<smem>>
      %sub3A_346 = arith.constant 2.000000e+00 : f32
      %sub3A_347 = arith.subf %get3A_345, %sub3A_346 : f32
      %swap3A_348 = arith.constant 24 : index
      %swap3A_349 = memref.load %arg6[%swap3A_348] : memref<40xf32, #tpu.memory_space<smem>>
      memref.store %sub3A_347, %arg6[%swap3A_348] : memref<40xf32, #tpu.memory_space<smem>>
      %get3A_350 = arith.constant 4 : index
      %get3A_351 = memref.load %arg3[%get3A_350] : memref<6xf32, #tpu.memory_space<smem>>
      %get3A_352 = arith.constant 5 : index
      %get3A_353 = memref.load %arg3[%get3A_352] : memref<6xf32, #tpu.memory_space<smem>>
      %add3A_354 = arith.addf %get3A_351, %get3A_353 : f32
      %swap3A_355 = arith.constant 29 : index
      %swap3A_356 = memref.load %arg6[%swap3A_355] : memref<40xf32, #tpu.memory_space<smem>>
      memref.store %add3A_354, %arg6[%swap3A_355] : memref<40xf32, #tpu.memory_space<smem>>
    } else {
    }
    %get3A = arith.constant 0 : index
    %get3A_2 = arith.constant 0 : index
    %get3A_3 = vector.load %arg4[%get3A, %get3A_2] : memref<1024x512xf32, #tpu.memory_space<vmem>>, vector<1024x512xf32>
    %max3A = arith.constant 0.000000e+00 : f32
    %max3A_4 = vector.broadcast %max3A : f32 to vector<1024x512xf32>
    %max3A_5 = arith.maximumf %get3A_3, %max3A_4 : vector<1024x512xf32>
    %min3A = arith.constant 1.000000e+00 : f32
    %min3A_6 = vector.broadcast %min3A : f32 to vector<1024x512xf32>
    %min3A_7 = arith.minimumf %max3A_5, %min3A_6 : vector<1024x512xf32>
    %get3A_8 = arith.constant 35 : index
    %get3A_9 = memref.load %arg6[%get3A_8] : memref<40xf32, #tpu.memory_space<smem>>
    %gt3A = vector.broadcast %get3A_9 : f32 to vector<1024x512xf32>
    %gt3A_10 = arith.cmpf ogt, %min3A_7, %gt3A : vector<1024x512xf32>
    %get3A_11 = arith.constant 36 : index
    %get3A_12 = memref.load %arg6[%get3A_11] : memref<40xf32, #tpu.memory_space<smem>>
    %gt3A_13 = vector.broadcast %get3A_12 : f32 to vector<1024x512xf32>
    %gt3A_14 = arith.cmpf ogt, %min3A_7, %gt3A_13 : vector<1024x512xf32>
    %get3A_15 = arith.constant 37 : index
    %get3A_16 = memref.load %arg6[%get3A_15] : memref<40xf32, #tpu.memory_space<smem>>
    %gt3A_17 = vector.broadcast %get3A_16 : f32 to vector<1024x512xf32>
    %gt3A_18 = arith.cmpf ogt, %min3A_7, %gt3A_17 : vector<1024x512xf32>
    %get3A_19 = arith.constant 38 : index
    %get3A_20 = memref.load %arg6[%get3A_19] : memref<40xf32, #tpu.memory_space<smem>>
    %gt3A_21 = vector.broadcast %get3A_20 : f32 to vector<1024x512xf32>
    %gt3A_22 = arith.cmpf ogt, %min3A_7, %gt3A_21 : vector<1024x512xf32>
    %get3A_23 = arith.constant 4 : index
    %get3A_24 = memref.load %arg6[%get3A_23] : memref<40xf32, #tpu.memory_space<smem>>
    %get3A_25 = arith.constant 3 : index
    %get3A_26 = memref.load %arg6[%get3A_25] : memref<40xf32, #tpu.memory_space<smem>>
    %get3A_27 = arith.constant 2 : index
    %get3A_28 = memref.load %arg6[%get3A_27] : memref<40xf32, #tpu.memory_space<smem>>
    %get3A_29 = arith.constant 1 : index
    %get3A_30 = memref.load %arg6[%get3A_29] : memref<40xf32, #tpu.memory_space<smem>>
    %get3A_31 = arith.constant 0 : index
    %get3A_32 = memref.load %arg6[%get3A_31] : memref<40xf32, #tpu.memory_space<smem>>
    %broadcast_in_dim3A = vector.broadcast %get3A_30 : f32 to vector<1024x512xf32>
    %broadcast_in_dim3A_33 = vector.broadcast %get3A_32 : f32 to vector<1024x512xf32>
    %select_n3A = arith.select %gt3A_10, %broadcast_in_dim3A, %broadcast_in_dim3A_33 : vector<1024x512xi1>, vector<1024x512xf32>
    %broadcast_in_dim3A_34 = vector.broadcast %get3A_28 : f32 to vector<1024x512xf32>
    %select_n3A_35 = arith.select %gt3A_14, %broadcast_in_dim3A_34, %select_n3A : vector<1024x512xi1>, vector<1024x512xf32>
    %broadcast_in_dim3A_36 = vector.broadcast %get3A_26 : f32 to vector<1024x512xf32>
    %select_n3A_37 = arith.select %gt3A_18, %broadcast_in_dim3A_36, %select_n3A_35 : vector<1024x512xi1>, vector<1024x512xf32>
    %broadcast_in_dim3A_38 = vector.broadcast %get3A_24 : f32 to vector<1024x512xf32>
    %select_n3A_39 = arith.select %gt3A_22, %broadcast_in_dim3A_38, %select_n3A_37 : vector<1024x512xi1>, vector<1024x512xf32>
    %get3A_40 = arith.constant 9 : index
    %get3A_41 = memref.load %arg6[%get3A_40] : memref<40xf32, #tpu.memory_space<smem>>
    %get3A_42 = arith.constant 8 : index
    %get3A_43 = memref.load %arg6[%get3A_42] : memref<40xf32, #tpu.memory_space<smem>>
    %get3A_44 = arith.constant 7 : index
    %get3A_45 = memref.load %arg6[%get3A_44] : memref<40xf32, #tpu.memory_space<smem>>
    %get3A_46 = arith.constant 6 : index
    %get3A_47 = memref.load %arg6[%get3A_46] : memref<40xf32, #tpu.memory_space<smem>>
    %get3A_48 = arith.constant 5 : index
    %get3A_49 = memref.load %arg6[%get3A_48] : memref<40xf32, #tpu.memory_space<smem>>
    %broadcast_in_dim3A_50 = vector.broadcast %get3A_47 : f32 to vector<1024x512xf32>
    %broadcast_in_dim3A_51 = vector.broadcast %get3A_49 : f32 to vector<1024x512xf32>
    %select_n3A_52 = arith.select %gt3A_10, %broadcast_in_dim3A_50, %broadcast_in_dim3A_51 : vector<1024x512xi1>, vector<1024x512xf32>
    %broadcast_in_dim3A_53 = vector.broadcast %get3A_45 : f32 to vector<1024x512xf32>
    %select_n3A_54 = arith.select %gt3A_14, %broadcast_in_dim3A_53, %select_n3A_52 : vector<1024x512xi1>, vector<1024x512xf32>
    %broadcast_in_dim3A_55 = vector.broadcast %get3A_43 : f32 to vector<1024x512xf32>
    %select_n3A_56 = arith.select %gt3A_18, %broadcast_in_dim3A_55, %select_n3A_54 : vector<1024x512xi1>, vector<1024x512xf32>
    %broadcast_in_dim3A_57 = vector.broadcast %get3A_41 : f32 to vector<1024x512xf32>
    %select_n3A_58 = arith.select %gt3A_22, %broadcast_in_dim3A_57, %select_n3A_56 : vector<1024x512xi1>, vector<1024x512xf32>
    %get3A_59 = arith.constant 14 : index
    %get3A_60 = memref.load %arg6[%get3A_59] : memref<40xf32, #tpu.memory_space<smem>>
    %get3A_61 = arith.constant 13 : index
    %get3A_62 = memref.load %arg6[%get3A_61] : memref<40xf32, #tpu.memory_space<smem>>
    %get3A_63 = arith.constant 12 : index
    %get3A_64 = memref.load %arg6[%get3A_63] : memref<40xf32, #tpu.memory_space<smem>>
    %get3A_65 = arith.constant 11 : index
    %get3A_66 = memref.load %arg6[%get3A_65] : memref<40xf32, #tpu.memory_space<smem>>
    %get3A_67 = arith.constant 10 : index
    %get3A_68 = memref.load %arg6[%get3A_67] : memref<40xf32, #tpu.memory_space<smem>>
    %broadcast_in_dim3A_69 = vector.broadcast %get3A_66 : f32 to vector<1024x512xf32>
    %broadcast_in_dim3A_70 = vector.broadcast %get3A_68 : f32 to vector<1024x512xf32>
    %select_n3A_71 = arith.select %gt3A_10, %broadcast_in_dim3A_69, %broadcast_in_dim3A_70 : vector<1024x512xi1>, vector<1024x512xf32>
    %broadcast_in_dim3A_72 = vector.broadcast %get3A_64 : f32 to vector<1024x512xf32>
    %select_n3A_73 = arith.select %gt3A_14, %broadcast_in_dim3A_72, %select_n3A_71 : vector<1024x512xi1>, vector<1024x512xf32>
    %broadcast_in_dim3A_74 = vector.broadcast %get3A_62 : f32 to vector<1024x512xf32>
    %select_n3A_75 = arith.select %gt3A_18, %broadcast_in_dim3A_74, %select_n3A_73 : vector<1024x512xi1>, vector<1024x512xf32>
    %broadcast_in_dim3A_76 = vector.broadcast %get3A_60 : f32 to vector<1024x512xf32>
    %select_n3A_77 = arith.select %gt3A_22, %broadcast_in_dim3A_76, %select_n3A_75 : vector<1024x512xi1>, vector<1024x512xf32>
    %get3A_78 = arith.constant 19 : index
    %get3A_79 = memref.load %arg6[%get3A_78] : memref<40xf32, #tpu.memory_space<smem>>
    %get3A_80 = arith.constant 18 : index
    %get3A_81 = memref.load %arg6[%get3A_80] : memref<40xf32, #tpu.memory_space<smem>>
    %get3A_82 = arith.constant 17 : index
    %get3A_83 = memref.load %arg6[%get3A_82] : memref<40xf32, #tpu.memory_space<smem>>
    %get3A_84 = arith.constant 16 : index
    %get3A_85 = memref.load %arg6[%get3A_84] : memref<40xf32, #tpu.memory_space<smem>>
    %get3A_86 = arith.constant 15 : index
    %get3A_87 = memref.load %arg6[%get3A_86] : memref<40xf32, #tpu.memory_space<smem>>
    %broadcast_in_dim3A_88 = vector.broadcast %get3A_85 : f32 to vector<1024x512xf32>
    %broadcast_in_dim3A_89 = vector.broadcast %get3A_87 : f32 to vector<1024x512xf32>
    %select_n3A_90 = arith.select %gt3A_10, %broadcast_in_dim3A_88, %broadcast_in_dim3A_89 : vector<1024x512xi1>, vector<1024x512xf32>
    %broadcast_in_dim3A_91 = vector.broadcast %get3A_83 : f32 to vector<1024x512xf32>
    %select_n3A_92 = arith.select %gt3A_14, %broadcast_in_dim3A_91, %select_n3A_90 : vector<1024x512xi1>, vector<1024x512xf32>
    %broadcast_in_dim3A_93 = vector.broadcast %get3A_81 : f32 to vector<1024x512xf32>
    %select_n3A_94 = arith.select %gt3A_18, %broadcast_in_dim3A_93, %select_n3A_92 : vector<1024x512xi1>, vector<1024x512xf32>
    %broadcast_in_dim3A_95 = vector.broadcast %get3A_79 : f32 to vector<1024x512xf32>
    %select_n3A_96 = arith.select %gt3A_22, %broadcast_in_dim3A_95, %select_n3A_94 : vector<1024x512xi1>, vector<1024x512xf32>
    %get3A_97 = arith.constant 24 : index
    %get3A_98 = memref.load %arg6[%get3A_97] : memref<40xf32, #tpu.memory_space<smem>>
    %get3A_99 = arith.constant 23 : index
    %get3A_100 = memref.load %arg6[%get3A_99] : memref<40xf32, #tpu.memory_space<smem>>
    %get3A_101 = arith.constant 22 : index
    %get3A_102 = memref.load %arg6[%get3A_101] : memref<40xf32, #tpu.memory_space<smem>>
    %get3A_103 = arith.constant 21 : index
    %get3A_104 = memref.load %arg6[%get3A_103] : memref<40xf32, #tpu.memory_space<smem>>
    %get3A_105 = arith.constant 20 : index
    %get3A_106 = memref.load %arg6[%get3A_105] : memref<40xf32, #tpu.memory_space<smem>>
    %broadcast_in_dim3A_107 = vector.broadcast %get3A_104 : f32 to vector<1024x512xf32>
    %broadcast_in_dim3A_108 = vector.broadcast %get3A_106 : f32 to vector<1024x512xf32>
    %select_n3A_109 = arith.select %gt3A_10, %broadcast_in_dim3A_107, %broadcast_in_dim3A_108 : vector<1024x512xi1>, vector<1024x512xf32>
    %broadcast_in_dim3A_110 = vector.broadcast %get3A_102 : f32 to vector<1024x512xf32>
    %select_n3A_111 = arith.select %gt3A_14, %broadcast_in_dim3A_110, %select_n3A_109 : vector<1024x512xi1>, vector<1024x512xf32>
    %broadcast_in_dim3A_112 = vector.broadcast %get3A_100 : f32 to vector<1024x512xf32>
    %select_n3A_113 = arith.select %gt3A_18, %broadcast_in_dim3A_112, %select_n3A_111 : vector<1024x512xi1>, vector<1024x512xf32>
    %broadcast_in_dim3A_114 = vector.broadcast %get3A_98 : f32 to vector<1024x512xf32>
    %select_n3A_115 = arith.select %gt3A_22, %broadcast_in_dim3A_114, %select_n3A_113 : vector<1024x512xi1>, vector<1024x512xf32>
    %get3A_116 = arith.constant 29 : index
    %get3A_117 = memref.load %arg6[%get3A_116] : memref<40xf32, #tpu.memory_space<smem>>
    %get3A_118 = arith.constant 28 : index
    %get3A_119 = memref.load %arg6[%get3A_118] : memref<40xf32, #tpu.memory_space<smem>>
    %get3A_120 = arith.constant 27 : index
    %get3A_121 = memref.load %arg6[%get3A_120] : memref<40xf32, #tpu.memory_space<smem>>
    %get3A_122 = arith.constant 26 : index
    %get3A_123 = memref.load %arg6[%get3A_122] : memref<40xf32, #tpu.memory_space<smem>>
    %get3A_124 = arith.constant 25 : index
    %get3A_125 = memref.load %arg6[%get3A_124] : memref<40xf32, #tpu.memory_space<smem>>
    %broadcast_in_dim3A_126 = vector.broadcast %get3A_123 : f32 to vector<1024x512xf32>
    %broadcast_in_dim3A_127 = vector.broadcast %get3A_125 : f32 to vector<1024x512xf32>
    %select_n3A_128 = arith.select %gt3A_10, %broadcast_in_dim3A_126, %broadcast_in_dim3A_127 : vector<1024x512xi1>, vector<1024x512xf32>
    %broadcast_in_dim3A_129 = vector.broadcast %get3A_121 : f32 to vector<1024x512xf32>
    %select_n3A_130 = arith.select %gt3A_14, %broadcast_in_dim3A_129, %select_n3A_128 : vector<1024x512xi1>, vector<1024x512xf32>
    %broadcast_in_dim3A_131 = vector.broadcast %get3A_119 : f32 to vector<1024x512xf32>
    %select_n3A_132 = arith.select %gt3A_18, %broadcast_in_dim3A_131, %select_n3A_130 : vector<1024x512xi1>, vector<1024x512xf32>
    %broadcast_in_dim3A_133 = vector.broadcast %get3A_117 : f32 to vector<1024x512xf32>
    %select_n3A_134 = arith.select %gt3A_22, %broadcast_in_dim3A_133, %select_n3A_132 : vector<1024x512xi1>, vector<1024x512xf32>
    %add3A = arith.addf %select_n3A_134, %select_n3A_134 : vector<1024x512xf32>
    %sub3A = arith.constant 4.000000e+00 : f32
    %sub3A_135 = vector.broadcast %sub3A : f32 to vector<1024x512xf32>
    %sub3A_136 = arith.subf %add3A, %sub3A_135 : vector<1024x512xf32>
    %sub3A_137 = arith.subf %min3A_7, %select_n3A_39 : vector<1024x512xf32>
    %mul3A = arith.mulf %sub3A_137, %select_n3A_58 : vector<1024x512xf32>
    %mul3A_138 = arith.mulf %mul3A, %mul3A : vector<1024x512xf32>
    %mul3A_139 = arith.mulf %select_n3A_115, %mul3A : vector<1024x512xf32>
    %add3A_140 = arith.constant 2.000000e+00 : f32
    %add3A_141 = vector.broadcast %add3A_140 : f32 to vector<1024x512xf32>
    %add3A_142 = arith.addf %mul3A_139, %add3A_141 : vector<1024x512xf32>
    %mul3A_143 = arith.mulf %add3A_142, %mul3A : vector<1024x512xf32>
    %mul3A_144 = arith.mulf %select_n3A_134, %mul3A_138 : vector<1024x512xf32>
    %mul3A_145 = arith.mulf %sub3A_136, %mul3A : vector<1024x512xf32>
    %add3A_146 = arith.constant 2.000000e+00 : f32
    %add3A_147 = vector.broadcast %add3A_146 : f32 to vector<1024x512xf32>
    %add3A_148 = arith.addf %mul3A_145, %add3A_147 : vector<1024x512xf32>
    %add3A_149 = arith.addf %mul3A_144, %add3A_148 : vector<1024x512xf32>
    %div3A = arith.divf %mul3A_143, %add3A_149 : vector<1024x512xf32>
    %mul3A_150 = arith.mulf %select_n3A_96, %div3A : vector<1024x512xf32>
    %add3A_151 = arith.addf %select_n3A_77, %mul3A_150 : vector<1024x512xf32>
    %swap3A = arith.constant 0 : index
    %swap3A_152 = arith.constant 0 : index
    %swap3A_153 = vector.load %arg5[%swap3A, %swap3A_152] : memref<1024x512xf32, #tpu.memory_space<vmem>>, vector<1024x512xf32>
    tpu.vector_store %arg5[%swap3A, %swap3A_152], %add3A_151 {strides = array<i32>} : memref<1024x512xf32, #tpu.memory_space<vmem>>, vector<1024x512xf32>,
    return
  }
  func.func @transform_0(%arg0: i32) -> i32 {
    %c0_i32 = arith.constant 0 : i32
    %c0_i32_0 = arith.constant 0 : i32
    return %c0_i32 : i32
  }
  func.func @transform_1(%arg0: i32) -> i32 {
    %c0_i32 = arith.constant 0 : i32
    %c0_i32_0 = arith.constant 0 : i32
    return %c0_i32 : i32
  }
  func.func @transform_2(%arg0: i32) -> i32 {
    %c0_i32 = arith.constant 0 : i32
    %c0_i32_0 = arith.constant 0 : i32
    return %c0_i32 : i32
  }
  func.func @transform_3(%arg0: i32) -> (i32, i32) {
    %add3A = arith.constant 8 : i32
    %add3A_0 = arith.addi %add3A, %arg0 : i32
    %c0_i32 = arith.constant 0 : i32
    %c0_i32_1 = arith.constant 0 : i32
    return %add3A_0, %c0_i32 : i32, i32
  }
  func.func @transform_4(%arg0: i32) -> (i32, i32) {
    %add3A = arith.constant 8 : i32
    %add3A_0 = arith.addi %add3A, %arg0 : i32
    %c0_i32 = arith.constant 0 : i32
    %c0_i32_1 = arith.constant 0 : i32
    return %add3A_0, %c0_i32 : i32, i32
  }
}

</mosaic_0001>

<sc_bundles>
// kernel: kernel.4.cloned.1.call-start
scs
__scs_entry_jumppad:
0x0: {  	(pc) =	sbr.rel $0x88, $3  }
0x1: {  	(tag) =	ssettag $0x0;
	lr =	simm.s32 $0x1  }
0x2: {  	[smem:$0x3F9D] =	sst lr;
	_ =	strace $0xD0000000  }
0x3: {  	_ = 	snop  }
0x4: {  	_ = 	snop  }
0x5: {  	_ = 	snop  }
0x6: {  	_ = 	snop  }
0x7: {  	_ = 	snop  }
__scs_overlays_trampoline_lowered:
0x8: {  	[smem:$0x3FAC] =	sst s0  }
0x9: {  	[smem:$0x3FAD] =	sst s1  }
0xa: {  	[smem:$0x3FAE] =	sst s2  }
0xb: {  	[smem:$0x3FAF] =	sst s3  }
0xc: {  	[smem:$0x3FB0] =	sst s4  }
0xd: {  	[smem:$0x3FB1] =	sst s5  }
0xe: {  	[smem:$0x3FB2] =	sst s6  }
0xf: {  	[smem:$0x3FB3] =	sst s7  }
0x10: {  	[smem:$0x3FB4] =	sst s8  }
0x11: {  	[smem:$0x3FB5] =	sst s9;
	s0 =	simm.s32 @!p0 $0x0  }
0x12: {  	s1 =	sld [smem:$0x3F9B];
	s0 =	simm.s32 @p0 $0x1  }
0x13: {  	[smem:$0x3FB6] =	sst s0;
	s0 =	simm.s32 @!p1 $0x0  }
0x14: {  	s2 =	sld [smem:$0x3F9A];
	s0 =	simm.s32 @p1 $0x1  }
0x15: {  	[smem:$0x3FB7] =	sst s0;
	s0 =	simm.s32 @!p2 $0x0  }
0x16: {  	s3 =	sld [smem:$0x3FDB];
	s0 =	simm.s32 @p2 $0x1  }
0x17: {  	s4 =	simm.s32 $0x1BF5;
	[smem:$0x3FB9] =	sst s0  }
0x18: {  	s0 =	sld [smem:$0x3F9C];
	_ =	swait.ge [sflag:s4], $0x0  }
0x19: {  	s7 =	sld [smem:$0x3F9D]  }
0x1a: {  	s8 =	sadd.s32 $0xFFFFE003, lr  }
0x1b: {  	s9 =	sadd.s32 $0xFFFFFEF7, lr;
	s5 =	simm.s32 $0xFFFFFFFF;
	p2 =	slt.u32 s8, $0xFFFFF086  }
0x1c: {  	p1 =	slt.u32 s9, $0xF7A;
	s5 =	simm.s32 @!p2 $0x0  }
0x1d: {  	s5 =	simm.s32 @p1 $0x1;
	p0 =	seq.s32 s7, s2  }
0x1e: {  	s7 =	smul.u32 @!p0 $0xF7A, s2;
	p2 =	seq.s32 @!p0 s5, $0x0  }
0x1f: {  	s9 =	smul.u32 $0xF7A, s1;
	s8 =	simm.s32 @!p0 $0x1BF5;
	p2 =	por !p2, p0  }
0x20: {  	[sflag:s8] =	ssyncset.s32 @!p0 $0xFFFFF086;
	s6 =	sadd.s32 @!p0 s3, s7;
	s7 =	simm.s32 @!p0 $0x108  }
0x21: {  	s3 =	sadd.s32 s3, s9;
	s6 =	sadd.s32 @!p0 $0x88, s6;
	s7 =	simm.s32 @p2 $0x1082  }
0x22: {  	[simem:s7], [sflag:s8] =	dma.local @!p0 [hbm:s6], $0xF7A  }
0x23: {  	s9 =	sor.u32 $0xD0000000, s2;
	s6 =	simm.s32 $0x108;
	_ =	swait.ge @!p0 [sflag:s8], $0x0  }
0x24: {  	s3 =	sadd.s32 $0x88, s3;
	s6 =	simm.s32 @!p1 $0x1082;
	[sflag:s4] =	ssyncset.s32 $0xFFFFF086  }
0x25: {  	[simem:s6], [sflag:s4] =	dma.local [hbm:s3], $0xF7A  }
0x26: {  	[smem:$0x3F9D] =	sst s1;
	(tag) =	ssettag s2;
	_ =	strace s9  }
0x27: {  	s1 =	sld [smem:$0x3FAD]  }
0x28: {  	s2 =	sld [smem:$0x3FAE]  }
0x29: {  	s4 =	sld [smem:$0x3FB0]  }
0x2a: {  	p0 =	seq.s32 s5, $0x0;
	s5 =	sld [smem:$0x3FB1]  }
0x2b: {  	s6 =	sld [smem:$0x3FB2]  }
0x2c: {  	s7 =	sld [smem:$0x3FB3]  }
0x2d: {  	s3 =	simm.s32 $0x108;
	s8 =	sld [smem:$0x3FB4]  }
0x2e: {  	s3 =	simm.s32 @!p0 $0x1082;
	s9 =	sld [smem:$0x3FB5]  }
0x2f: {  	lr =	sadd.s32 s0, s3;
	s0 =	sld [smem:$0x3FAC]  }
0x30: {  	s3 =	sld [smem:$0x3FAF]  }
0x31: {  	[smem:$0x3FB8] =	sst s10  }
0x32: {  	s10 =	sld [smem:$0x3FB6];
	_ =	sdelay $0x3  }
0x33: {  	p0 =	seq.s32 s10, $0x1;
	s10 =	sld [smem:$0x3FB8];
	_ =	sdelay $0x3  }
0x34: {  	[smem:$0x3FB8] =	sst s10  }
0x35: {  	s10 =	sld [smem:$0x3FB7];
	_ =	sdelay $0x3  }
0x36: {  	p1 =	seq.s32 s10, $0x1;
	s10 =	sld [smem:$0x3FB8];
	_ =	sdelay $0x3  }
0x37: {  	[smem:$0x3FB8] =	sst s10  }
0x38: {  	s10 =	sld [smem:$0x3FB9]  }
0x39: {  	_ = 	snop;
	(pc) =	sbr.ind lr, $3  }
0x3a: {  	_ = 	snop  }
0x3b: {  	_ = 	snop  }
0x3c: {  	p2 =	seq.s32 s10, $0x1;
	s10 =	sld [smem:$0x3FB8]  }
0x3d: {  	_ =	shalt  }
0x3e: {  	_ =	shalt  }
0x3f: {  	_ =	shalt  }
0x40: {  	_ =	shalt  }
0x41: {  	_ =	shalt  }
0x42: {  	_ =	shalt  }
0x43: {  	_ =	shalt  }
0x44: {  	_ =	shalt  }
0x45: {  	_ =	shalt  }
0x46: {  	_ =	shalt  }
0x47: {  	_ =	shalt  }
0x48: {  	_ =	shalt  }
0x49: {  	_ =	shalt  }
0x4a: {  	_ =	shalt  }
0x4b: {  	_ =	shalt  }
0x4c: {  	_ =	shalt  }
0x4d: {  	_ =	shalt  }
0x4e: {  	_ =	shalt  }
0x4f: {  	_ =	shalt  }
0x50: {  	_ =	shalt  }
0x51: {  	_ =	shalt  }
0x52: {  	_ =	shalt  }
0x53: {  	_ =	shalt  }
0x54: {  	_ =	shalt  }
0x55: {  	_ =	shalt  }
0x56: {  	_ =	shalt  }
0x57: {  	_ =	shalt  }
0x58: {  	_ =	shalt  }
0x59: {  	_ =	shalt  }
0x5a: {  	_ =	shalt  }
0x5b: {  	_ =	shalt  }
0x5c: {  	_ =	shalt  }
0x5d: {  	_ =	shalt  }
0x5e: {  	_ =	shalt  }
0x5f: {  	_ =	shalt  }
0x60: {  	_ =	shalt  }
0x61: {  	_ =	shalt  }
0x62: {  	_ =	shalt  }
0x63: {  	_ =	shalt  }
0x64: {  	_ =	shalt  }
0x65: {  	_ =	shalt  }
0x66: {  	_ =	shalt  }
0x67: {  	_ =	shalt  }
0x68: {  	_ =	shalt  }
0x69: {  	_ =	shalt  }
0x6a: {  	_ =	shalt  }
0x6b: {  	_ =	shalt  }
0x6c: {  	_ =	shalt  }
0x6d: {  	_ =	shalt  }
0x6e: {  	_ =	shalt  }
0x6f: {  	_ =	shalt  }
0x70: {  	_ =	shalt  }
0x71: {  	_ =	shalt  }
0x72: {  	_ =	shalt  }
0x73: {  	_ =	shalt  }
0x74: {  	_ =	shalt  }
0x75: {  	_ =	shalt  }
0x76: {  	_ =	shalt  }
0x77: {  	_ =	shalt  }
0x78: {  	_ =	shalt  }
0x79: {  	_ =	shalt  }
0x7a: {  	_ =	shalt  }
0x7b: {  	_ =	shalt  }
0x7c: {  	_ =	shalt  }
0x7d: {  	_ =	shalt  }
0x7e: {  	_ =	shalt  }
0x7f: {  	_ =	shalt  }
0x80: {  	_ =	shalt  }
0x81: {  	_ =	shalt  }
0x82: {  	_ =	shalt  }
0x83: {  	_ =	shalt  }
0x84: {  	_ =	shalt  }
0x85: {  	_ =	shalt  }
0x86: {  	_ =	shalt  }
0x87: {  	_ =	shalt  }
.Lfunc_end0:
.L_simem_size_0:
called_computation_lowered:
.L_overlay_start_0:
0x88: {  	s2 =	sld [smem:$0x3FD9]  }
0x89: {  	s3 =	sld [smem:$0x3FFE];
	_ =	sdelay $0x1  }
0x8a: {  	s1 =	srdreg.scid  }
0x8b: {  	s0 =	sand.u32 $0x1, s1  }
0x8c: {  	s17 =	sshll.u32 s0, $0xA;
	s2 =	sadd.s32 s3, s2  }
0x8d: {  	s2 =	sadd.s32 s2, s17  }
0x8e: {  	[smem:$0x3FC4] =	sst s2  }
0x8f: {  	_ = 	snop  }
0x90: {  	s2 =	sld [smem:$0x3FC9]  }
0x91: {  	s18 =	sld [smem:$0x3FC8]  }
0x92: {  	s4 =	sld [smem:$0x3FC7]  }
0x93: {  	s5 =	sld [smem:$0x3FC6];
	(tm) =	ssettm $0x1  }
0x94: {  	s6 =	sld [smem:$0x3FFB];
	_ =	sdelay $0x3  }
0x95: {  	_ =	strace s6  }
0x96: {  	s6 =	sld [smem:$0x3FFC];
	_ =	sdelay $0x3  }
0x97: {  	_ =	strace s6  }
0x98: {  	s6 =	sld [smem:$0x3FFD];
	_ =	sdelay $0x3  }
0x99: {  	_ =	strace s6  }
0x9a: {  	_ =	strace $0x8FFFFFFF  }
0x9b: {  	s19 =	sld [smem:$0x3FDB];
	_ =	sdelay $0x1  }
0x9c: {  	s7 =	simm.s32 $_scs_section_size  }
0x9d: {  	s8 =	simm.s32 $_size__tile_overlayer_lowered;
	s9 =	simm.s32 $_tile_overlayer_lowered  }
0x9e: {  	s22 =	simm.s32 $0x1BFF;
	s21 =	sshll.u32 s9, $0x1;
	s6 =	sadd.s32 s7, s19  }
0x9f: {  	s10 =	simm.s32 $0x0;
	s20 =	sshll.u32 s8, $0x1;
	s8 =	sadd.s32 s21, s6  }
0xa0: {  	[timem:s10], [sflag:s22] =	dma.local [hbm:s8], s20  }
0xa1: {  	_ =	swait.ge [sflag:s22], s20  }
0xa2: {  	s7 =	ssub.s32 $0x0, s20;
	[sflag:s22] =	ssyncset.done $0x0  }
0xa3: {  	[sflag:s22] =	ssyncadd.s32 s7;
	_ =	sdelay $0x1  }
0xa4: {  	s23 =	simm.s32 $0x1B8B  }
0xa5: {  	_ =	swait.ge [sflag:s23], $0x1  }
0xa6: {  	[sflag:s23] =	ssyncset.done $0x0  }
0xa7: {  	s25 =	simm.s32 $0x1B8E;
	s24 =	sld [smem:$0x3FFE];
	[sflag:s23] =	ssyncadd.s32 $0xFFFFFFFF  }
0xa8: {  	s26 =	simm.s32 $execute0_lowered;
	[smem:$0x3FD2] =	sst s25  }
0xa9: {  	s8 =	sshll.u32 s26, $0x1;
	_ =	strace $0x80000046;
	[dreg:$0x1] =	wrdreg $0xFFFFFFFF  }
0xaa: {  	s28 =	simm.s32 $_size_execute0_lowered;
	s6 =	sadd.s32 s6, s8;
	[dreg:$0x0] =	wrdreg $0x0  }
0xab: {  	s8 =	sshll.u32 s28, $0x1;
	[dreg:$0x2] =	wrdreg s6  }
0xac: {  	[dreg:$0x3] =	wrdreg s8  }
0xad: {  	[dreg:$0x4] =	wrdreg $0xC0  }
0xae: {  	_ =	task [dreg:s10], $0x5FFFF  }
0xaf: {  	[dreg:$0x1] =	wrdreg $0xFFFFFFFF  }
0xb0: {  	[dreg:$0x0] =	wrdreg $0x60  }
0xb1: {  	[dreg:$0x2] =	wrdreg s2  }
0xb2: {  	[dreg:$0x3] =	wrdreg s18  }
0xb3: {  	[dreg:$0x4] =	wrdreg s4  }
0xb4: {  	[dreg:$0x5] =	wrdreg s5  }
0xb5: {  	[dreg:$0x6] =	wrdreg s24  }
0xb6: {  	[dreg:$0x7] =	wrdreg $0x9  }
0xb7: {  	_ =	task.clear_ibuf [dreg:s10], $0x8FFFF;
	_ =	strace $0x90000046  }
0xb8: {  	s29 =	simm.s32 $0x9;
	_ =	strace $0x80000048  }
0xb9: {  	_ =	swait.ge [sflag:s29], $0x1  }
0xba: {  	[sflag:s29] =	ssyncadd.s32 $0xFFFFFFFF  }
0xbb: {  	_ =	strace $0x90000048  }
0xbc: {  	_ =	sfence  }
0xbd: {  	s30 =	sld [smem:$0x0];
	_ =	sdelay $0x2  }
0xbe: {  	s31 =	sshll.u32 s1, $0xD;
	s1 =	sshrl.u32 s1, $0x2  }
0xbf: {  	s3 =	sand.u32 $0x4000, s31;
	s1 =	sadd.s32 s1, s30  }
0xc0: {  	s0 =	sor.u32 s3, s0;
	s1 =	sshll.u32 s1, $0x11  }
0xc1: {  	s0 =	sor.u32 s1, s0  }
0xc2: {  	s0 =	sadd.s32 $0x8F2B, s0  }
0xc3: {  	[sflag:s0] =	ssyncadd.remote.s32 $0x1  }
0xc4: {  	_ =	sfence.sel $0xFFFF  }
0xc5: {  	[dreg:$0x0] =	wrdreg $0xFFFFFFFF;
	(pc) =	sbr.abs _section_cstart, $3  }
0xc6: {  	[dreg:$0x1] =	wrdreg $0xFFFFFFFF  }
0xc7: {  	_ =	task.clear_ibuf [dreg:s10], $0x2FFFF;
	_ =	strace $0x9FFFFFFF  }
0xc8: {  	(tm) =	ssettm $0x7FFFFFFF  }
0xc9: {  	_ =	shalt  }
tec
execute0_lowered:
.L_overlay_start_1:
0x0: {  	(tag) =	ssettag $0x1  }
0x1: {  	v0 =	vimm.s32 $0xEDCBA987;
	v1 =	vimm.s32 $0x65432100;
	v60 =	vimm.s32 $0xDCBA9876  }
0x2: {  	v2 =	vimm.s32 $0x54321000;
	v3 =	vimm.s32 $0x32100000;
	v0 =	vunpack.c.l.s4.s8 v0  }
0x3: {  	s0 =	rddreg [dreg:$0x0];
	v4 =	vimm.s32 $0xBA987654;
	v5 =	vimm.s32 $0xFFEDCBA9;
	v1 =	vunpack.c.l.s4.s8 v1  }
0x4: {  	s3 =	rddreg [dreg:$0x4];
	s5 =	srdreg.scid;
	v6 =	vimm.s32 $0x87654321;
	v4 =	vunpack.c.l.s4.s8 v4;
	v0 =	vunpack.c.0.s8.s32 v0  }
0x5: {  	s4 =	simm.s32 $0x0;
	s1 =	stileid.u32;
	s14 =	simm.s32 $0x5;
	v5 =	vunpack.c.l.s4.s8 v5;
	v6 =	vunpack.c.l.s4.s8 v6;
	v1 =	vunpack.c.0.s8.s32 v1  }
0x6: {  	s16 =	simm.s32 $0x20;
	s17 =	simm.s32 $0x80;
	s18 =	simm.s32 $0x4080;
	v2 =	vunpack.c.l.s4.s8 v2;
	v3 =	vunpack.c.l.s4.s8 v3;
	v0 =	vand.u32 $0xF, v0  }
0x7: {  	s19 =	simm.s32 $0x1;
	s20 =	simm.s32 $0x8080;
	s21 =	simm.s32 $0x2;
	v4 =	vunpack.c.0.s8.s32 v4;
	v0 =	vcombine.low v1, v0;
	v1 =	vunpack.c.l.s4.s8 v60  }
0x8: {  	s22 =	simm.s32 $0x4;
	s23 =	simm.s32 $0xC080;
	s24 =	simm.s32 $0x3;
	v5 =	vunpack.c.0.s8.s32 v5;
	v6 =	vunpack.c.0.s8.s32 v6;
	v3 =	vunpack.c.0.s8.s32 v3  }
0x9: {  	s25 =	simm.s32 $0x0;
	s5 =	sand.u32 $0x1, s5;
	[smem:$0x7FF] =	sst s4;
	v4 =	vand.u32 $0xF, v4;
	v1 =	vunpack.c.0.s8.s32 v1  }
.Ltmp0:
0xa: {  	s6 =	sshll.u32 s1, $0xF;
	s10 =	sadd.s32 $0x1000, s0;
	v2 =	vunpack.c.0.s8.s32 v2;
	v5 =	vcombine.low v6, v5;
	v62 =	vcombine.low v3, v4;
	(pc) =	sbr.rel .LBB2_1-.Ltmp0, $4  }
0xb: {  	s11 =	sadd.s32 $0x1200, s3;
	s7 =	sshll.u32 s5, $0xE;
	s5 =	ssub.s32 $0x2, s5;
	[tilespmem:$0x1FFC0] =	vst v0;
	v1 =	vand.u32 $0xF, v1  }
0xc: {  	s6 =	sor.u32 s7, s6;
	s9 =	sshrl.u32 s5, $0x1;
	v63 =	vand.u32 $0xF, v5;
	_ =	strace $0x80000047;
	[tilespmem:$0x1FFE0] =	vst v62;
	v61 =	vcombine.low v2, v1  }
0xd: {  	s12 =	sadd.s32 $0x1800, s0;
	s8 =	sadd.s32 s0, s6;
	s5 =	ssub.s32 s5, s9;
	[tilespmem:$0x1FFF0] =	vst v63  }
0xe: {  	vm0 =	vmmov $0x3;
	vm1 =	vmmov $0xf;
	s7 =	sadd.s32 $0xA00, s3;
	s9 =	sadd.s32 $0x800, s8;
	s13 =	smax.u32 s5, $0x1;
	v5 =	vimm.s32 $0x0;
	[tilespmem:$0x1FFD0] =	vst v61  }
.LBB2_12:
0xf: {  	s25 =	sadd.s32 $0x1, s25  }
0x10: {  	_ =	swait.ge [sflag:s24], $0x4000;
	p0 =	sne.s32 s25, s13  }
.Ltmp1:
0x11: {  	[sflag:s24] =	ssyncset.done $0x0;
	(pc) =	sbr.rel @!p0 .LBB2_13-.Ltmp1, $4  }
0x12: {  	[sflag:s24] =	ssyncadd.s32 $0xFFFFC000  }
0x13: {  	_ =	swait.ge [sflag:s22], $0x4000  }
0x14: {  	[sflag:s22] =	ssyncset.done $0x0  }
0x15: {  	v5 =	vimm.s32 $0x0;
	[sflag:s22] =	ssyncadd.s32 $0xFFFFC000  }
.LBB2_1:
0x16: {  	s0 =	rddreg [dreg:$0x1]  }
0x17: {  	[tilespmem:s4], [sflag:$0x5] =	stream.linear.gather [hbm4b:s0+s4], $0x5, $0x38;
	[tilespmem:$0x10080] =	vst v63  }
0x18: {  	_ =	swait.ge [sflag:s14], $0x5  }
0x19: {  	[sflag:s14] =	ssyncset.done $0x0  }
0x1a: {  	[sflag:s14] =	ssyncadd.s32 $0xFFFFFFFB  }
0x1b: {  	s1 =	simm.s32 $0x10;
	s30 =	rddreg [dreg:$0x2]  }
0x1c: {  	[tilespmem:s1], [sflag:$0x5] =	stream.linear.gather [hbm4b:s30+s4], $0x6, $0x38;
	[tilespmem:$0x10080] =	vst v63  }
0x1d: {  	_ =	swait.ge [sflag:s14], $0x6  }
0x1e: {  	[sflag:s14] =	ssyncset.done $0x0  }
0x1f: {  	[sflag:s14] =	ssyncadd.s32 $0xFFFFFFFA  }
0x20: {  	s31 =	rddreg [dreg:$0x3]  }
0x21: {  	[tilespmem:s16], [sflag:$0x5] =	stream.linear.gather [hbm4b:s31+s4], $0x6, $0x38;
	[tilespmem:$0x10080] =	vst v63  }
0x22: {  	_ =	swait.ge [sflag:s14], $0x6  }
0x23: {  	[sflag:s14] =	ssyncset.done $0x0  }
0x24: {  	v0 =	vld [tilespmem:$0x1FFC0];
	[sflag:s14] =	ssyncadd.s32 $0xFFFFFFFA  }
0x25: {  	v1 =	vld [tilespmem:$0x0];
	_ =	sdelay $0x3  }
0x26: {  	v3 =	vlaneseq.u32  }
0x27: {  	vm2 =	veq.s32 v3, $0x0;
	v3 =	vld [tilespmem:$0x1FFD0];
	v2 =	vperm.xlane v1, v0;
	_ =	sdelay $0x1  }
0x28: {  	v2 =	vsel vm2, $0x0, v2  }
0x29: {  	v2 =	vadd.f32 v2, v1;
	_ =	sdelay $0x1  }
0x2a: {  	v6 =	vperm.xlane v2, v3;
	v3 =	vld [tilespmem:$0x1FFE0];
	_ =	sdelay $0x1  }
0x2b: {  	v6 =	vsel vm0, $0x0, v6  }
0x2c: {  	v2 =	vadd.f32 v6, v2  }
0x2d: {  	v7 =	vld [tilespmem:$0x20]  }
0x2e: {  	v1 =	vadd.f32 $9.999999930e-09, v1;
	v6 =	vperm.xlane v2, v3;
	v3 =	vld [tilespmem:$0x1FFF0];
	_ =	sdelay $0x1  }
0x2f: {  	(erf) = vrcp.f32 v1  }
0x30: {  	v10 =	vld [tilespmem:$0x10];
	_ =	sdelay $0x1  }
0x31: {  	v59 =	vsel vm1, $0x0, v6;
	v60 =	vperm.xlane v7, v3  }
0x32: {  	v1 =	vadd.f32 v59, v2  }
0x33: {  	v61 =	vimm.s32 $0x1;
	v62 =	vimm.s32 $0x2;
	v11 =	vadd.f32 v60, v7  }
0x34: {  	v63 =	vimm.s32 $0x3;
	[tilespmem:s17], [sflag:$0x1] =	stream.linear.gather [hbm4b:s8+s4], $0x4000, $0x38;
	v6 =	vperm.xlane v1, v0;
	v8 =	vperm.xlane v10, v3;
	[tilespmem:$0x10080] =	vst v63  }
0x35: {  	v15 =	vperm.xlane v1, v5;
	v9 =	vperm.xlane v1, v63;
	v2 =	vadd.f32 v11, v11  }
0x36: {  	[tilespmem:s18], [sflag:$0x2] =	stream.linear.gather [hbm4b:s9+s4], $0x4000, $0x38;
	v14 =	vadd.f32 $-2.000000000e+00, v7;
	v16 =	vperm.xlane v1, v61;
	v19 =	vperm.xlane v1, v62;
	[tilespmem:$0x10080] =	vst v63  }
0x37: {  	s26 =	simm.s32 $0x0;
	v17 =	vpop (erf);
	v12 =	vsel vm2, $0x0, v6;
	v4 =	vsub.f32 v8, v10;
	[tilespmem:$0x1FFB0] =	vst v9;
	v18 =	vadd.f32 $-4.000000000e+00, v2  }
.LBB2_2:
0x38: {  	_ =	swait.ge [sflag:s19], $0x4000  }
0x39: {  	p0 =	seq.s32 s26, $0x0;
	s3 =	simm.s32 $0x0;
	s5 =	simm.s32 $0x0  }
0x3a: {  	s28 =	simm.s32 $0x0;
	[sflag:s19] =	ssyncset.done $0x0;
	s0 =	simm.s32 @!p0 $0x3  }
0x3b: {  	s5 =	sand.u32 $0x3000, s5;
	s29 =	sand.u32 $0xC00, s3;
	[sflag:s19] =	ssyncadd.s32 $0xFFFFC000  }
0x3c: {  	s28 =	sand.u32 $0x380, s28;
	s5 =	sor.u32 s29, s5;
	_ =	swait.ge @!p0 [sflag:s0], $0x4000  }
0x3d: {  	s3 =	sand.u32 $0x40, s3;
	s5 =	sor.u32 s28, s5;
	[sflag:s0] =	ssyncset.done @!p0 $0x0  }
0x3e: {  	s28 =	sor.u32 s3, s5;
	[sflag:s0] =	ssyncadd.s32 @!p0 $0xFFFFC000  }
0x3f: {  	v1 =	vld [tilespmem:s28+$0xB0]  }
0x40: {  	v2 =	vld [tilespmem:s28+$0xA0]  }
0x41: {  	v7 =	vld [tilespmem:s28+$0x90]  }
0x42: {  	v20 =	vld [tilespmem:s28+$0x80];
	_ =	sdelay $0x3  }
0x43: {  	v1 =	vmax.f32 v1, $0.0e+00;
	v2 =	vmax.f32 v2, $0.0e+00;
	v7 =	vmax.f32 v7, $0.0e+00  }
0x44: {  	v20 =	vmax.f32 v20, $0.0e+00;
	v1 =	vmin.f32 v1, $1.000000000e+00;
	v2 =	vmin.f32 v2, $1.000000000e+00  }
0x45: {  	v41 =	vmin.f32 v7, $1.000000000e+00;
	v20 =	vmin.f32 v20, $1.000000000e+00;
	vm2 =	vgt.f32 v1, v15  }
0x46: {  	vm3 =	vgt.f32 v1, v16;
	vm4 =	vgt.f32 v41, v19;
	vm5 =	vgt.f32 v20, v16  }
0x47: {  	vm6 =	vgt.f32 v41, v16;
	vm7 =	vgt.f32 v41, v15;
	v6 =	vsel vm2, $0x1, v5  }
0x48: {  	vm2 =	vgt.f32 v1, v19;
	v26 =	vsel vm7, $0x1, v5;
	v6 =	vsel vm3, $0x2, v6  }
0x49: {  	vm3 =	vgt.f32 v1, v9;
	v6 =	vsel vm2, $0x3, v6;
	vm2 =	vgt.f32 v2, v15  }
0x4a: {  	v6 =	vsel vm3, $0x4, v6;
	v7 =	vsel vm2, $0x1, v5;
	vm2 =	vgt.f32 v2, v16  }
0x4b: {  	vm3 =	vgt.f32 v2, v19;
	v8 =	vperm.xlane v12, v6;
	v21 =	vperm.xlane v17, v6  }
0x4c: {  	v34 =	vperm.xlane v4, v6;
	v7 =	vsel vm2, $0x2, v7;
	vm2 =	vgt.f32 v2, v9  }
0x4d: {  	v22 =	vperm.xlane v14, v6;
	v7 =	vsel vm3, $0x3, v7;
	v1 =	vsub.f32 v1, v8  }
0x4e: {  	v29 =	vperm.xlane v18, v6;
	v8 =	vperm.xlane v11, v6;
	v7 =	vsel vm2, $0x4, v7  }
0x4f: {  	v26 =	vsel vm6, $0x2, v26;
	v23 =	vperm.xlane v12, v7;
	v1 =	vmul.f32 v1, v21  }
0x50: {  	vm3 =	vgt.f32 v20, v19;
	v24 =	vperm.xlane v18, v7;
	v27 =	vperm.xlane v14, v7  }
0x51: {  	v2 =	vsub.f32 v2, v23;
	v23 =	vperm.xlane v17, v7;
	v21 =	vmul.f32 v1, v1  }
0x52: {  	vm2 =	vgt.f32 v20, v15;
	v13 =	vperm.xlane v4, v7;
	v22 =	vmul.f32 v22, v1  }
0x53: {  	v45 =	vmul.f32 v2, v23;
	v8 =	vmul.f32 v8, v21;
	v21 =	vsel vm2, $0x1, v5  }
0x54: {  	v2 =	vsel vm4, $0x3, v26;
	vm2 =	vgt.f32 v20, v9;
	v25 =	vsel vm5, $0x2, v21  }
0x55: {  	v21 =	vperm.xlane v10, v7;
	v7 =	vperm.xlane v11, v7;
	v25 =	vsel vm3, $0x3, v25  }
0x56: {  	v32 =	vmul.f32 v24, v45;
	v38 =	vmul.f32 v27, v45;
	v28 =	vsel vm2, $0x4, v25  }
0x57: {  	vm2 =	vgt.f32 v41, v9;
	v25 =	vperm.xlane v12, v28;
	v26 =	vperm.xlane v17, v28  }
0x58: {  	s15 =	simm.s32 $0x200;
	s5 =	simm.s32 $0x40;
	v2 =	vsel vm2, $0x4, v2;
	v30 =	vperm.xlane v11, v28;
	v48 =	vperm.xlane v10, v28  }
0x59: {  	s1 =	simm.s32 $0x10;
	s3 =	sand.u32 $0xC00, s15;
	s0 =	sand.u32 $0x3000, s5;
	[tilespmem:$0x1FFA0] =	vst v13;
	v49 =	vperm.xlane v4, v28;
	v13 =	vperm.xlane v10, v2  }
0x5a: {  	s2 =	sand.u32 $0x380, s1;
	s15 =	simm.s32 $0x40;
	s0 =	sor.u32 s3, s0;
	v23 =	vperm.xlane v4, v2;
	v42 =	vperm.xlane v12, v2  }
0x5b: {  	s5 =	sand.u32 $0x40, s15;
	s0 =	sor.u32 s2, s0;
	v50 =	vperm.xlane v17, v2;
	v52 =	vperm.xlane v14, v2;
	v24 =	vsub.f32 v20, v25  }
0x5c: {  	s29 =	sor.u32 s5, s0;
	v53 =	vperm.xlane v18, v2;
	v25 =	vperm.xlane v10, v6;
	[tilespmem:$0x1FF90] =	vst v13  }
0x5d: {  	v22 =	vadd.f32 $2.000000000e+00, v22;
	v47 =	vmul.f32 v24, v26;
	v6 =	vld [tilespmem:s29+$0xB0];
	v24 =	vmul.f32 v29, v1  }
0x5e: {  	v2 =	vperm.xlane v11, v2;
	v26 =	vperm.xlane v18, v28  }
0x5f: {  	v1 =	vmul.f32 v22, v1;
	v29 =	vmul.f32 v47, v47;
	v24 =	vadd.f32 $2.000000000e+00, v24  }
0x60: {  	v32 =	vadd.f32 $2.000000000e+00, v32;
	v33 =	vmul.f32 v26, v47;
	v26 =	vmul.f32 v45, v45  }
0x61: {  	v28 =	vperm.xlane v14, v28;
	v35 =	vmul.f32 v30, v29;
	v29 =	vld [tilespmem:s29+$0xA0];
	v8 =	vadd.f32 v24, v8  }
0x62: {  	v24 =	vld [tilespmem:s29+$0x90];
	v7 =	vmul.f32 v7, v26;
	v59 =	vadd.f32 $2.000000000e+00, v33;
	v6 =	vmax.f32 v6, $0.0e+00  }
0x63: {  	v39 =	vmul.f32 v28, v47;
	v6 =	vmin.f32 v6, $1.000000000e+00;
	(erf) = vrcp.f32 v8  }
0x64: {  	v35 =	vadd.f32 v59, v35;
	v7 =	vadd.f32 v32, v7;
	vm2 =	vgt.f32 v6, v15  }
0x65: {  	v59 =	vadd.f32 $2.000000000e+00, v38;
	vm3 =	vgt.f32 v6, v16;
	v22 =	vsel vm2, $0x1, v5  }
0x66: {  	vm2 =	vgt.f32 v6, v19;
	v22 =	vsel vm3, $0x2, v22;
	v27 =	vmax.f32 v29, $0.0e+00  }
0x67: {  	vm3 =	vgt.f32 v6, v9;
	v8 =	vmax.f32 v24, $0.0e+00;
	v22 =	vsel vm2, $0x3, v22  }
0x68: {  	v27 =	vmin.f32 v27, $1.000000000e+00;
	v31 =	vmin.f32 v8, $1.000000000e+00;
	v36 =	vsel vm3, $0x4, v22  }
0x69: {  	vm2 =	vgt.f32 v27, v15;
	vm3 =	vgt.f32 v27, v19;
	vm13 =	vgt.f32 v31, v19  }
0x6a: {  	vm15 =	vgt.f32 v31, v15;
	v29 =	vperm.xlane v12, v36;
	v8 =	vperm.xlane v17, v36  }
0x6b: {  	v22 =	vld [tilespmem:s29+$0x80];
	v24 =	vsel vm2, $0x1, v5;
	vm2 =	vgt.f32 v27, v16;
	v44 =	vperm.xlane v14, v36  }
0x6c: {  	v46 =	vsel vm15, $0x1, v5;
	v63 =	vperm.xlane v18, v36;
	v24 =	vsel vm2, $0x2, v24  }
0x6d: {  	vm2 =	vgt.f32 v27, v9;
	v6 =	vsub.f32 v6, v29;
	v24 =	vsel vm3, $0x3, v24  }
0x6e: {  	v29 =	vperm.xlane v4, v36;
	v24 =	vsel vm2, $0x4, v24;
	v54 =	vpop (erf);
	(erf) = vrcp.f32 v35  }
0x6f: {  	vm2 =	vgt.f32 v31, v16;
	v6 =	vmul.f32 v6, v8;
	v8 =	vperm.xlane v11, v36  }
0x70: {  	v22 =	vmax.f32 v22, $0.0e+00;
	v30 =	vperm.xlane v12, v24;
	v37 =	vperm.xlane v18, v24  }
0x71: {  	v51 =	vperm.xlane v14, v24;
	v1 =	vmul.f32 v54, v1;
	v62 =	vsel vm2, $0x2, v46  }
0x72: {  	v26 =	vperm.xlane v4, v24;
	v43 =	vperm.xlane v11, v24;
	v28 =	vmin.f32 v22, $1.000000000e+00  }
0x73: {  	(erf) = vrcp.f32 v7;
	v22 =	vmul.f32 v6, v6;
	vm3 =	vgt.f32 v28, v19  }
0x74: {  	vm14 =	vgt.f32 v28, v16;
	v27 =	vsub.f32 v27, v30;
	v30 =	vperm.xlane v17, v24  }
0x75: {  	vm9 =	vgt.f32 v28, v15;
	v60 =	vmul.f32 v63, v6;
	v38 =	vmul.f32 v44, v6  }
0x76: {  	v44 =	vmul.f32 v1, v34;
	v40 =	vsel vm9, $0x1, v5;
	v8 =	vmul.f32 v8, v22  }
0x77: {  	v22 =	vperm.xlane v10, v24;
	v40 =	vsel vm14, $0x2, v40;
	v30 =	vmul.f32 v27, v30  }
0x78: {  	v57 =	vadd.f32 $2.000000000e+00, v38;
	v40 =	vsel vm3, $0x3, v40;
	vm3 =	vgt.f32 v28, v9  }
0x79: {  	v55 =	vsel vm3, $0x4, v40;
	v56 =	vmul.f32 v37, v30;
	v38 =	vmul.f32 v51, v30  }
0x7a: {  	s31 =	simm.s32 $0x400;
	s1 =	simm.s32 $0x80;
	v27 =	vsel vm13, $0x3, v62;
	v6 =	vmul.f32 v57, v6;
	v61 =	vperm.xlane v12, v55  }
0x7b: {  	s15 =	sand.u32 $0xC00, s31;
	s2 =	simm.s32 $0x20;
	s0 =	sand.u32 $0x3000, s1;
	vm3 =	vgt.f32 v31, v9;
	v46 =	vperm.xlane v17, v55;
	v58 =	vperm.xlane v11, v55  }
0x7c: {  	s3 =	sand.u32 $0x380, s2;
	s5 =	simm.s32 $0x80;
	s0 =	sor.u32 s15, s0;
	v40 =	vsel vm3, $0x4, v27;
	v27 =	vperm.xlane v10, v36;
	v32 =	vperm.xlane v10, v55  }
0x7d: {  	s30 =	sand.u32 $0x40, s5;
	s0 =	sor.u32 s3, s0;
	v34 =	vperm.xlane v4, v55;
	v7 =	vperm.xlane v14, v55  }
0x7e: {  	s30 =	sor.u32 s30, s0;
	v24 =	vperm.xlane v10, v40;
	v37 =	vperm.xlane v12, v40;
	v54 =	vsub.f32 v28, v61  }
0x7f: {  	v62 =	vld [tilespmem:s30+$0xA0];
	v36 =	vperm.xlane v17, v40;
	v35 =	vperm.xlane v14, v40  }
0x80: {  	v63 =	vadd.f32 $2.000000000e+00, v39;
	v39 =	vperm.xlane v18, v40;
	v61 =	vld [tilespmem:s30+$0xB0];
	v33 =	vmul.f32 v54, v46  }
0x81: {  	v28 =	vperm.xlane v4, v40;
	v46 =	vperm.xlane v18, v55  }
0x82: {  	v20 =	vimm.s32 $0x0;
	v55 =	vmul.f32 v63, v47;
	v54 =	vmul.f32 v33, v33  }
0x83: {  	v1 =	vmul.f32 v46, v33;
	v46 =	vadd.f32 $2.000000000e+00, v56;
	v47 =	vmul.f32 v7, v33  }
0x84: {  	v58 =	vmul.f32 v58, v54;
	v54 =	vadd.f32 $2.000000000e+00, v60;
	v60 =	vmul.f32 v30, v30  }
0x85: {  	v57 =	vadd.f32 $2.000000000e+00, v1;
	v1 =	vmax.f32 v62, $0.0e+00;
	v62 =	vmax.f32 v61, $0.0e+00  }
0x86: {  	v61 =	vld [tilespmem:s30+$0x90];
	v1 =	vmin.f32 v1, $1.000000000e+00;
	v56 =	vmin.f32 v62, $1.000000000e+00;
	v8 =	vadd.f32 v54, v8  }
0x87: {  	vm2 =	vgt.f32 v56, v16;
	vm3 =	vgt.f32 v56, v15;
	vm10 =	vgt.f32 v1, v15  }
0x88: {  	v54 =	vmul.f32 v59, v45;
	v45 =	vpop (erf);
	vm11 =	vgt.f32 v1, v9;
	v62 =	vsel vm3, $0x1, v5  }
0x89: {  	v59 =	vld [tilespmem:s30+$0x80];
	vm3 =	vgt.f32 v56, v19;
	v55 =	vmul.f32 v45, v55;
	v51 =	vsel vm2, $0x2, v62  }
0x8a: {  	vm2 =	vgt.f32 v56, v9;
	(erf) = vrcp.f32 v8;
	v7 =	vsel vm3, $0x3, v51  }
0x8b: {  	v8 =	vmax.f32 v61, $0.0e+00;
	v61 =	vsel vm10, $0x1, v5;
	vm3 =	vgt.f32 v1, v19  }
0x8c: {  	v49 =	vmul.f32 v55, v49;
	v51 =	vsel vm2, $0x4, v7;
	v7 =	vsub.f32 v41, v42  }
0x8d: {  	v42 =	vmin.f32 v8, $1.000000000e+00;
	vm2 =	vgt.f32 v1, v16;
	v8 =	vperm.xlane v12, v51  }
0x8e: {  	v41 =	vperm.xlane v4, v51;
	v61 =	vsel vm2, $0x2, v61;
	v59 =	vmax.f32 v59, $0.0e+00  }
0x8f: {  	v13 =	vmovc v4;
	vm2 =	vgt.f32 v42, v19;
	v4 =	vadd.f32 v49, v48;
	vm13 =	vgt.f32 v42, v16  }
0x90: {  	vm14 =	vgt.f32 v42, v15;
	v7 =	vmul.f32 v7, v50;
	v50 =	vperm.xlane v17, v51  }
0x91: {  	v59 =	vmin.f32 v59, $1.000000000e+00;
	v61 =	vsel vm3, $0x3, v61;
	v8 =	vsub.f32 v56, v8;
	v56 =	vpop (erf)  }
0x92: {  	v49 =	vsel vm14, $0x1, v5;
	v52 =	vmul.f32 v52, v7;
	v62 =	vmul.f32 v56, v54  }
0x93: {  	vm3 =	vgt.f32 v59, v19;
	v54 =	vmul.f32 v7, v7;
	v56 =	vperm.xlane v14, v51  }
0x94: {  	v0 =	vsel vm11, $0x4, v61;
	v45 =	vmul.f32 v8, v50;
	v8 =	vmul.f32 v53, v7  }
0x95: {  	vm12 =	vgt.f32 v59, v16;
	v63 =	vperm.xlane v12, v0;
	v3 =	vperm.xlane v18, v0  }
0x96: {  	v50 =	vperm.xlane v11, v51;
	v2 =	vmul.f32 v2, v54;
	v8 =	vadd.f32 $2.000000000e+00, v8  }
0x97: {  	vm15 =	vgt.f32 v59, v15;
	v54 =	vperm.xlane v14, v0;
	v53 =	vmul.f32 v45, v45  }
0x98: {  	v48 =	vadd.f32 $2.000000000e+00, v52;
	v2 =	vadd.f32 v8, v2;
	v8 =	vsel vm15, $0x1, v5  }
0x99: {  	v52 =	vperm.xlane v17, v0;
	v53 =	vmul.f32 v50, v53;
	v8 =	vsel vm12, $0x2, v8  }
0x9a: {  	v5 =	vld [tilespmem:$0x1FFA0];
	(erf) = vrcp.f32 v2;
	v2 =	vsel vm3, $0x3, v8;
	v8 =	vsub.f32 v1, v63;
	v1 =	vpop (erf)  }
0x9b: {  	v50 =	vperm.xlane v10, v0;
	vm3 =	vgt.f32 v59, v9;
	v63 =	vmul.f32 v1, v6  }
0x9c: {  	v55 =	vsel vm3, $0x4, v2;
	v1 =	vmul.f32 v43, v60;
	v43 =	vperm.xlane v13, v0  }
0x9d: {  	v6 =	vsel vm13, $0x2, v49;
	v2 =	vperm.xlane v12, v55;
	v49 =	vmul.f32 v8, v52  }
0x9e: {  	v60 =	vsel vm2, $0x3, v6;
	v8 =	vmul.f32 v48, v7;
	v6 =	vperm.xlane v17, v55  }
0x9f: {  	vm3 =	vgt.f32 v42, v9;
	v48 =	vperm.xlane v11, v0;
	v61 =	vmul.f32 v62, v5  }
0xa0: {  	v60 =	vsel vm3, $0x4, v60;
	v7 =	vsub.f32 v59, v2;
	v62 =	vmul.f32 v3, v49  }
0xa1: {  	s3 =	simm.s32 $0x8;
	[tilespmem:s28+$0x8080] =	vst v4;
	v52 =	vperm.xlane v10, v60;
	v2 =	vperm.xlane v18, v51;
	v59 =	vadd.f32 v57, v58  }
.LBB2_3:
0xa2: {  	v0 =	vperm.xlane v11, v55;
	v58 =	vperm.xlane v11, v40  }
0xa3: {  	s3 =	sadd.s32 $0x4, s3;
	v3 =	vadd.f32 v44, v25;
	v25 =	vmovc v27;
	v27 =	vperm.xlane v10, v51;
	v57 =	vperm.xlane v13, v60  }
0xa4: {  	s31 =	sadd.s32 $0x200, s31;
	v44 =	vmul.f32 v63, v29;
	v5 =	vperm.xlane v13, v55;
	s0 =	sshll.u32 s3, $0x4  }
0xa5: {  	s1 =	sshll.u32 s3, $0x2;
	s2 =	sand.u32 $0xC00, s31;
	s0 =	sand.u32 $0x3000, s0;
	[tilespmem:s28+$0x80B0] =	vst v3;
	v3 =	vmul.f32 v7, v6;
	v7 =	vperm.xlane v18, v55  }
0xa6: {  	v1 =	vadd.f32 v46, v1;
	s5 =	sadd.s32 $0x40, s5;
	v2 =	vmul.f32 v2, v45;
	v46 =	vmul.f32 v56, v45;
	s1 =	sand.u32 $0x380, s1;
	s0 =	sor.u32 s2, s0  }
0xa7: {  	s15 =	sand.u32 $0x40, s5;
	v6 =	vperm.xlane v12, v60;
	v4 =	vpop (erf);
	s0 =	sor.u32 s1, s0;
	v7 =	vmul.f32 v7, v3  }
0xa8: {  	v46 =	vadd.f32 $2.000000000e+00, v46;
	(erf) = vrcp.f32 v59;
	v4 =	vmul.f32 v4, v8;
	s0 =	sor.u32 s15, s0  }
0xa9: {  	v8 =	vadd.f32 v61, v21;
	v21 =	vmovc v22;
	v22 =	vmovc v50;
	v50 =	vadd.f32 $2.000000000e+00, v38;
	v61 =	vperm.xlane v10, v55;
	v51 =	vld [tilespmem:s0+$0xB0]  }
0xaa: {  	v38 =	vmul.f32 v54, v49;
	v63 =	vld [tilespmem:s0+$0x80];
	v59 =	vadd.f32 $2.000000000e+00, v7;
	v7 =	vmul.f32 v46, v45  }
0xab: {  	v40 =	vmovc v60;
	v46 =	vadd.f32 $2.000000000e+00, v62;
	v62 =	vld [tilespmem:$0x1FF90];
	[tilespmem:s28+$0x80A0] =	vst v8;
	v8 =	vperm.xlane v17, v60;
	v60 =	vmul.f32 v3, v3  }
0xac: {  	v54 =	vperm.xlane v18, v40;
	(erf) = vrcp.f32 v1  }
0xad: {  	v4 =	vmul.f32 v4, v23;
	v23 =	vmovc v28;
	v28 =	vmovc v57;
	v56 =	vld [tilespmem:s0+$0xA0];
	v57 =	vmul.f32 v0, v60;
	v0 =	vadd.f32 $2.000000000e+00, v2  }
0xae: {  	v47 =	vadd.f32 $2.000000000e+00, v47;
	v1 =	vperm.xlane v14, v55;
	v60 =	vmul.f32 v49, v49  }
0xaf: {  	v2 =	vld [tilespmem:s0+$0x90];
	v0 =	vadd.f32 v0, v53;
	v53 =	vperm.xlane v14, v40;
	v45 =	vmax.f32 v51, $0.0e+00  }
0xb0: {  	v4 =	vadd.f32 v4, v62;
	v62 =	vmul.f32 v47, v33;
	v33 =	vmovc v3;
	v63 =	vmax.f32 v63, $0.0e+00  }
0xb1: {  	v59 =	vadd.f32 v59, v57;
	v45 =	vmin.f32 v45, $1.000000000e+00;
	v47 =	vmul.f32 v1, v33  }
0xb2: {  	v29 =	vmovc v41;
	v41 =	vmax.f32 v56, $0.0e+00;
	vm2 =	vgt.f32 v45, v16;
	vm3 =	vgt.f32 v45, v15  }
0xb3: {  	v56 =	vmovc v24;
	v24 =	vmovc v52;
	[tilespmem:s28+$0x8090] =	vst v4;
	(erf) = vrcp.f32 v0;
	v52 =	vmin.f32 v41, $1.000000000e+00;
	v4 =	vsel vm3, $0x1, v20  }
0xb4: {  	vm3 =	vgt.f32 v45, v19;
	v0 =	vmax.f32 v2, $0.0e+00;
	vm4 =	vgt.f32 v52, v15  }
0xb5: {  	v2 =	vpop (erf);
	v3 =	vsel vm2, $0x2, v4;
	vm2 =	vgt.f32 v45, v9;
	v4 =	vmul.f32 v50, v30  }
0xb6: {  	v2 =	vmul.f32 v2, v62;
	vm14 =	vgt.f32 v52, v9;
	v1 =	vsel vm3, $0x3, v3  }
0xb7: {  	v62 =	vpop (erf);
	vm3 =	vgt.f32 v52, v19;
	v51 =	vsel vm2, $0x4, v1;
	v1 =	vsub.f32 v31, v37  }
0xb8: {  	v31 =	vmovc v42;
	v42 =	vmin.f32 v0, $1.000000000e+00;
	v0 =	vsel vm4, $0x1, v20;
	vm2 =	vgt.f32 v52, v16  }
0xb9: {  	v4 =	vmul.f32 v62, v4;
	v62 =	vmin.f32 v63, $1.000000000e+00;
	v2 =	vmul.f32 v2, v34  }
0xba: {  	v3 =	vperm.xlane v12, v51;
	v41 =	vperm.xlane v13, v51;
	v0 =	vsel vm2, $0x2, v0  }
0xbb: {  	[tilespmem:$0x1FF90] =	vst v56;
	vm2 =	vgt.f32 v42, v19;
	v56 =	vperm.xlane v14, v51;
	vm5 =	vgt.f32 v62, v16  }
0xbc: {  	vm15 =	vgt.f32 v42, v16;
	vm6 =	vgt.f32 v42, v15;
	vm7 =	vgt.f32 v62, v15  }
0xbd: {  	v37 =	vmovc v6;
	v6 =	vmul.f32 v1, v36;
	v1 =	vperm.xlane v17, v51;
	v3 =	vsub.f32 v45, v3  }
0xbe: {  	v0 =	vsel vm3, $0x3, v0;
	v2 =	vadd.f32 v2, v32;
	v32 =	vmovc v61;
	v61 =	vmul.f32 v4, v26  }
0xbf: {  	v36 =	vmovc v8;
	vm3 =	vgt.f32 v62, v19;
	v8 =	vmul.f32 v35, v6;
	v45 =	vmul.f32 v3, v1  }
0xc0: {  	v30 =	vmovc v49;
	v49 =	vsel vm6, $0x1, v20;
	v50 =	vmul.f32 v6, v6;
	v1 =	vmul.f32 v39, v6  }
0xc1: {  	s28 =	smov.u32 s29;
	v34 =	vmovc v5;
	v0 =	vsel vm14, $0x4, v0;
	v35 =	vmovc v53;
	v3 =	vperm.xlane v11, v51;
	v53 =	vmul.f32 v45, v45  }
0xc2: {  	v26 =	vmovc v43;
	v5 =	vperm.xlane v12, v0;
	[tilespmem:s28+$0x8080] =	vst v2;
	v43 =	vperm.xlane v13, v0;
	v2 =	vadd.f32 $2.000000000e+00, v8  }
0xc3: {  	v63 =	vpop (erf);
	v1 =	vadd.f32 $2.000000000e+00, v1;
	v53 =	vmul.f32 v3, v53;
	v3 =	vmul.f32 v58, v50  }
0xc4: {  	v39 =	vmovc v54;
	v54 =	vperm.xlane v14, v0;
	v63 =	vmul.f32 v63, v7;
	v7 =	vsel vm15, $0x2, v49  }
0xc5: {  	v8 =	vmul.f32 v2, v6;
	v1 =	vadd.f32 v1, v3;
	v3 =	vsel vm7, $0x1, v20  }
0xc6: {  	v2 =	vperm.xlane v18, v51;
	v58 =	vperm.xlane v18, v0;
	v3 =	vsel vm5, $0x2, v3  }
0xc7: {  	p1 =	slt.u32 s3, $0x3FC;
	v50 =	vperm.xlane v10, v0;
	(erf) = vrcp.f32 v1;
	v1 =	vsel vm3, $0x3, v3  }
.Ltmp2:
0xc8: {  	v3 =	vsub.f32 v52, v5;
	vm3 =	vgt.f32 v62, v9;
	v5 =	vperm.xlane v17, v0;
	(pc) =	sbr.rel @p1 .LBB2_3-.Ltmp2, $4  }
0xc9: {  	v55 =	vsel vm3, $0x4, v1;
	vm3 =	vgt.f32 v42, v9;
	v1 =	vmul.f32 v48, v60  }
0xca: {  	v60 =	vsel vm2, $0x3, v7;
	v4 =	vperm.xlane v12, v55;
	v49 =	vmul.f32 v3, v5  }
0xcb: {  	v48 =	vperm.xlane v11, v0;
	v6 =	vperm.xlane v17, v55;
	v60 =	vsel vm3, $0x4, v60  }
0xcc: {  	s29 =	smov.u32 s30;
	s30 =	smov.u32 s0;
	v52 =	vperm.xlane v10, v60;
	v7 =	vsub.f32 v62, v4;
	v62 =	vmul.f32 v58, v49  }
0xcd: {  	v0 =	vperm.xlane v11, v55;
	v3 =	vperm.xlane v11, v40  }
0xce: {  	v5 =	vperm.xlane v10, v51;
	v2 =	vmul.f32 v2, v45;
	v25 =	vadd.f32 v44, v25  }
0xcf: {  	v51 =	vperm.xlane v18, v55;
	v31 =	vsub.f32 v31, v37;
	v37 =	vperm.xlane v10, v55  }
0xd0: {  	v1 =	vadd.f32 v46, v1;
	v44 =	vmul.f32 v56, v45;
	v29 =	vmul.f32 v63, v29  }
0xd1: {  	v46 =	vadd.f32 $2.000000000e+00, v47;
	v47 =	vperm.xlane v13, v55;
	v63 =	vperm.xlane v18, v60  }
0xd2: {  	v54 =	vmul.f32 v54, v49;
	v6 =	vmul.f32 v7, v6  }
0xd3: {  	v7 =	vperm.xlane v13, v60;
	v31 =	vmul.f32 v31, v36;
	v4 =	vpop (erf)  }
0xd4: {  	v36 =	vmul.f32 v49, v49;
	v4 =	vmul.f32 v4, v8  }
0xd5: {  	v40 =	vmul.f32 v51, v6;
	v8 =	vmul.f32 v6, v6  }
0xd6: {  	v4 =	vmul.f32 v4, v23;
	v23 =	vperm.xlane v12, v60  }
0xd7: {  	v2 =	vadd.f32 $2.000000000e+00, v2;
	(erf) = vrcp.f32 v59;
	v51 =	vperm.xlane v14, v55  }
0xd8: {  	v0 =	vmul.f32 v0, v8;
	v8 =	vperm.xlane v17, v60;
	v23 =	vsub.f32 v42, v23  }
0xd9: {  	v56 =	vadd.f32 $2.000000000e+00, v62;
	v39 =	vmul.f32 v39, v31;
	v58 =	vmul.f32 v31, v31  }
0xda: {  	v2 =	vadd.f32 v2, v53;
	(erf) = vrcp.f32 v1;
	v8 =	vmul.f32 v23, v8  }
0xdb: {  	v39 =	vadd.f32 $2.000000000e+00, v39;
	v3 =	vmul.f32 v3, v58;
	v58 =	vperm.xlane v11, v60  }
0xdc: {  	v40 =	vadd.f32 $2.000000000e+00, v40;
	v59 =	vmul.f32 v63, v8;
	v62 =	vmul.f32 v8, v8  }
0xdd: {  	(erf) = vrcp.f32 v2;
	v3 =	vadd.f32 v39, v3;
	v63 =	vmul.f32 v48, v36  }
0xde: {  	v9 =	vld [tilespmem:$0x1FF90];
	v0 =	vadd.f32 v40, v0;
	v48 =	vadd.f32 $2.000000000e+00, v59;
	v1 =	vmul.f32 v58, v62  }
0xdf: {  	v35 =	vmul.f32 v35, v31;
	(erf) = vrcp.f32 v3;
	v2 =	vadd.f32 v56, v63  }
0xe0: {  	v55 =	vmul.f32 v46, v33;
	(erf) = vrcp.f32 v0;
	v1 =	vadd.f32 v48, v1  }
0xe1: {  	v35 =	vadd.f32 $2.000000000e+00, v35;
	v40 =	vperm.xlane v14, v60;
	(erf) = vrcp.f32 v2  }
0xe2: {  	v0 =	vadd.f32 $2.000000000e+00, v54;
	v56 =	vadd.f32 $2.000000000e+00, v38;
	v62 =	vpop (erf);
	(erf) = vrcp.f32 v1  }
0xe3: {  	v4 =	vadd.f32 v4, v9;
	v20 =	vmul.f32 v35, v31;
	v58 =	vmul.f32 v51, v6  }
0xe4: {  	v0 =	vmul.f32 v0, v49;
	v59 =	vadd.f32 $2.000000000e+00, v44;
	v3 =	vmul.f32 v56, v30  }
0xe5: {  	v42 =	vadd.f32 $2.000000000e+00, v58;
	v30 =	vmul.f32 v40, v8;
	v38 =	vmul.f32 v62, v55;
	v39 =	vpop (erf)  }
0xe6: {  	v63 =	vadd.f32 v61, v21;
	v2 =	vmul.f32 v59, v45;
	v3 =	vmul.f32 v39, v3  }
0xe7: {  	v44 =	vpop (erf);
	v6 =	vmul.f32 v42, v6;
	v48 =	vadd.f32 $2.000000000e+00, v30;
	v21 =	vmul.f32 v38, v34  }
0xe8: {  	[tilespmem:s28+$0x80B0] =	vst v25;
	v54 =	vadd.f32 v29, v27;
	v45 =	vpop (erf);
	v2 =	vmul.f32 v44, v2;
	v3 =	vmul.f32 v3, v26  }
0xe9: {  	[tilespmem:s28+$0x8090] =	vst v4;
	v20 =	vmul.f32 v45, v20;
	v46 =	vpop (erf);
	v8 =	vmul.f32 v48, v8  }
0xea: {  	[tilespmem:s29+$0x80B0] =	vst v54;
	v51 =	vadd.f32 v21, v32;
	v6 =	vmul.f32 v46, v6;
	v2 =	vmul.f32 v2, v41;
	v55 =	vpop (erf)  }
0xeb: {  	[tilespmem:s28+$0x80A0] =	vst v63;
	v20 =	vmul.f32 v20, v28;
	v56 =	vadd.f32 v3, v22;
	v0 =	vmul.f32 v55, v0;
	v59 =	vpop (erf)  }
0xec: {  	[tilespmem:s29+$0x8080] =	vst v51;
	v58 =	vmul.f32 v6, v47;
	v2 =	vadd.f32 v2, v5;
	v6 =	vmul.f32 v59, v8  }
0xed: {  	v60 =	vadd.f32 v20, v24;
	[tilespmem:s29+$0x80A0] =	vst v56;
	v0 =	vmul.f32 v0, v43  }
0xee: {  	p1 =	sne.s32 s26, $0x3;
	v61 =	vadd.f32 v58, v37;
	[tilespmem:s30+$0x80B0] =	vst v2;
	v62 =	vmul.f32 v6, v7  }
.Ltmp3:
0xef: {  	[tilespmem:s29+$0x8090] =	vst v60;
	v0 =	vadd.f32 v0, v50;
	(pc) =	sbr.rel @p1 .LBB2_6-.Ltmp3, $4  }
0xf0: {  	s0 =	sshll.u32 s26, $0xC;
	[tilespmem:s30+$0x8080] =	vst v61;
	v63 =	vadd.f32 v62, v52  }
0xf1: {  	s28 =	sadd.s32 s6, s0;
	[tilespmem:s30+$0x80A0] =	vst v0  }
0xf2: {  	s0 =	sadd.s32 s7, s28;
	[tilespmem:s30+$0x8090] =	vst v63  }
0xf3: {  	v57 =	vmov v10;
	v10 =	vmov v11;
	v53 =	vmov v18;
	[hbm4b:s0+s4] =	stream.linear.scatter [tilespmem:s20], [sflag:$0x3], $0x4000, $0x38;
	[tilespmem:$0x10080] =	vst v63  }
.Ltmp4:
0xf4: {  	(pc) =	sbr.rel .LBB2_7-.Ltmp4, $4  }
0xf5: {  	_ = 	snop  }
0xf6: {  	_ =	swait.ge [sflag:s21], $0x4000  }
0xf7: {  	[sflag:s21] =	ssyncset.done $0x0  }
0xf8: {  	v2 =	vimm.s32 $0x0;
	[sflag:s21] =	ssyncadd.s32 $0xFFFFC000  }
.LBB2_6:
.Ltmp5:
0xf9: {  	s0 =	sadd.s32 s28, s10;
	(pc) =	sbr.rel @p0 .LBB2_8-.Ltmp5, $4  }
0xfa: {  	[tilespmem:s17], [sflag:$0x1] =	stream.linear.gather [hbm4b:s0+s4], $0x4000, $0x38;
	[tilespmem:$0x10080] =	vst v63  }
0xfb: {  	_ =	swait.ge [sflag:s21], $0x4000  }
0xfc: {  	[sflag:s21] =	ssyncset.done $0x0  }
0xfd: {  	v2 =	vimm.s32 $0x0;
	[sflag:s21] =	ssyncadd.s32 $0xFFFFC000  }
.LBB2_7:
0xfe: {  	_ =	swait.ge [sflag:s22], $0x4000  }
0xff: {  	[sflag:s22] =	ssyncset.done $0x0  }
0x100: {  	[sflag:s22] =	ssyncadd.s32 $0xFFFFC000  }
.LBB2_8:
0x101: {  	s0 =	simm.s32 $0x0;
	s1 =	simm.s32 $0x0  }
0x102: {  	s2 =	simm.s32 $0x0;
	s1 =	sand.u32 $0x3000, s1;
	s3 =	sand.u32 $0xC00, s0  }
0x103: {  	s2 =	sand.u32 $0x380, s2;
	s1 =	sor.u32 s3, s1  }
0x104: {  	s0 =	sand.u32 $0x40, s0;
	s1 =	sor.u32 s2, s1  }
0x105: {  	s29 =	sor.u32 s0, s1  }
0x106: {  	v0 =	vld [tilespmem:s29+$0x40B0]  }
0x107: {  	v1 =	vld [tilespmem:s29+$0x40A0]  }
0x108: {  	v3 =	vld [tilespmem:s29+$0x4090]  }
0x109: {  	v5 =	vld [tilespmem:s29+$0x4080];
	_ =	sdelay $0x3  }
0x10a: {  	v9 =	vimm.s32 $0x0;
	v0 =	vmax.f32 v0, $0.0e+00;
	v1 =	vmax.f32 v1, $0.0e+00  }
0x10b: {  	v21 =	vld [tilespmem:$0x1FFB0];
	v3 =	vmax.f32 v3, $0.0e+00;
	v5 =	vmax.f32 v5, $0.0e+00;
	v0 =	vmin.f32 v0, $1.000000000e+00  }
0x10c: {  	v1 =	vmin.f32 v1, $1.000000000e+00;
	v41 =	vmin.f32 v3, $1.000000000e+00;
	v5 =	vmin.f32 v5, $1.000000000e+00  }
0x10d: {  	vm2 =	vgt.f32 v0, v15;
	vm3 =	vgt.f32 v0, v16;
	vm4 =	vgt.f32 v41, v19  }
0x10e: {  	vm5 =	vgt.f32 v5, v16;
	vm6 =	vgt.f32 v41, v16;
	v2 =	vsel vm2, $0x1, v2  }
0x10f: {  	vm7 =	vgt.f32 v41, v15;
	vm2 =	vgt.f32 v0, v19;
	v2 =	vsel vm3, $0x2, v2  }
0x110: {  	v22 =	vsel vm7, $0x1, v9;
	vm3 =	vgt.f32 v0, v21;
	v2 =	vsel vm2, $0x3, v2  }
0x111: {  	v22 =	vsel vm6, $0x2, v22;
	vm2 =	vgt.f32 v1, v15;
	v2 =	vsel vm3, $0x4, v2  }
0x112: {  	v3 =	vsel vm2, $0x1, v9;
	vm2 =	vgt.f32 v1, v16;
	v4 =	vperm.xlane v12, v2  }
0x113: {  	vm3 =	vgt.f32 v1, v19;
	v6 =	vperm.xlane v17, v2;
	v34 =	vperm.xlane v13, v2  }
0x114: {  	v3 =	vsel vm2, $0x2, v3;
	vm2 =	vgt.f32 v1, v21;
	v0 =	vsub.f32 v0, v4  }
0x115: {  	v7 =	vperm.xlane v14, v2;
	v25 =	vperm.xlane v57, v2;
	v3 =	vsel vm3, $0x3, v3  }
0x116: {  	v4 =	vperm.xlane v10, v2;
	v3 =	vsel vm2, $0x4, v3;
	v0 =	vmul.f32 v0, v6  }
0x117: {  	vm3 =	vgt.f32 v5, v19;
	v8 =	vperm.xlane v12, v3;
	v20 =	vperm.xlane v53, v3  }
0x118: {  	vm2 =	vgt.f32 v5, v15;
	v23 =	vperm.xlane v57, v3;
	v6 =	vmul.f32 v0, v0  }
0x119: {  	v24 =	vperm.xlane v14, v3;
	v43 =	vperm.xlane v13, v3;
	v1 =	vsub.f32 v1, v8  }
0x11a: {  	v11 =	vmovc v10;
	v8 =	vperm.xlane v17, v3;
	v4 =	vmul.f32 v4, v6;
	v6 =	vsel vm2, $0x1, v9  }
0x11b: {  	v3 =	vperm.xlane v11, v3;
	v7 =	vmul.f32 v7, v0;
	v6 =	vsel vm5, $0x2, v6  }
0x11c: {  	v45 =	vmul.f32 v1, v8;
	vm2 =	vgt.f32 v5, v21;
	v6 =	vsel vm3, $0x3, v6  }
0x11d: {  	v1 =	vsel vm4, $0x3, v22;
	v22 =	vperm.xlane v53, v2;
	v6 =	vsel vm2, $0x4, v6  }
0x11e: {  	[tilespmem:$0x1FF70] =	vst v23;
	v32 =	vmul.f32 v20, v45;
	v23 =	vperm.xlane v12, v6  }
0x11f: {  	vm2 =	vgt.f32 v41, v21;
	v8 =	vperm.xlane v17, v6;
	v26 =	vperm.xlane v11, v6  }
0x120: {  	s2 =	simm.s32 $0x200;
	s1 =	simm.s32 $0x40;
	v1 =	vsel vm2, $0x4, v1;
	v48 =	vperm.xlane v57, v6;
	v49 =	vperm.xlane v13, v6  }
0x121: {  	s3 =	simm.s32 $0x10;
	s0 =	sand.u32 $0x3000, s1;
	s1 =	sand.u32 $0xC00, s2;
	v20 =	vperm.xlane v57, v1;
	v42 =	vperm.xlane v12, v1;
	v5 =	vsub.f32 v5, v23  }
0x122: {  	s15 =	simm.s32 $0x40;
	s5 =	sand.u32 $0x380, s3;
	s0 =	sor.u32 s1, s0;
	v50 =	vperm.xlane v17, v1;
	v52 =	vperm.xlane v14, v1  }
0x123: {  	s2 =	sand.u32 $0x40, s15;
	s0 =	sor.u32 s5, s0;
	v7 =	vadd.f32 $2.000000000e+00, v7;
	v23 =	vperm.xlane v13, v1;
	v47 =	vmul.f32 v5, v8  }
0x124: {  	s30 =	sor.u32 s2, s0;
	[tilespmem:$0x1FF80] =	vst v20;
	v5 =	vmul.f32 v22, v0;
	v8 =	vperm.xlane v53, v6  }
0x125: {  	v2 =	vld [tilespmem:s30+$0x40B0];
	v0 =	vmul.f32 v7, v0;
	v6 =	vperm.xlane v14, v6  }
0x126: {  	v18 =	vmov v53;
	v53 =	vperm.xlane v53, v1;
	v22 =	vmul.f32 v47, v47  }
0x127: {  	v1 =	vperm.xlane v11, v1;
	v5 =	vadd.f32 $2.000000000e+00, v5;
	v8 =	vmul.f32 v8, v47  }
0x128: {  	v6 =	vmul.f32 v6, v47;
	v35 =	vmul.f32 v26, v22  }
0x129: {  	v22 =	vld [tilespmem:s30+$0x40A0];
	v26 =	vmul.f32 v45, v45;
	v4 =	vadd.f32 v5, v4;
	v5 =	vmul.f32 v24, v45  }
0x12a: {  	v24 =	vld [tilespmem:s30+$0x4090];
	v8 =	vadd.f32 $2.000000000e+00, v8;
	v6 =	vadd.f32 $2.000000000e+00, v6;
	v2 =	vmax.f32 v2, $0.0e+00  }
0x12b: {  	v2 =	vmin.f32 v2, $1.000000000e+00;
	(erf) = vrcp.f32 v4;
	v3 =	vmul.f32 v3, v26  }
0x12c: {  	v8 =	vadd.f32 v8, v35;
	v5 =	vadd.f32 $2.000000000e+00, v5;
	vm2 =	vgt.f32 v2, v15  }
0x12d: {  	v6 =	vmul.f32 v6, v47;
	vm3 =	vgt.f32 v2, v16;
	v7 =	vsel vm2, $0x1, v9  }
0x12e: {  	s3 =	simm.s32 $0x80;
	s5 =	simm.s32 $0x400;
	vm2 =	vgt.f32 v2, v19;
	v5 =	vmul.f32 v5, v45;
	v7 =	vsel vm3, $0x2, v7  }
0x12f: {  	s15 =	simm.s32 $0x20;
	s0 =	sand.u32 $0x3000, s3;
	s3 =	sand.u32 $0xC00, s5;
	v22 =	vmax.f32 v22, $0.0e+00;
	vm3 =	vgt.f32 v2, v21;
	v4 =	vmax.f32 v24, $0.0e+00  }
0x130: {  	s1 =	sand.u32 $0x380, s15;
	s0 =	sor.u32 s3, s0;
	s3 =	simm.s32 $0x80;
	v7 =	vsel vm2, $0x3, v7;
	v27 =	vmin.f32 v22, $1.000000000e+00;
	v31 =	vmin.f32 v4, $1.000000000e+00  }
0x131: {  	s15 =	sand.u32 $0x40, s3;
	s0 =	sor.u32 s1, s0;
	v22 =	vld [tilespmem:s30+$0x4080];
	v7 =	vsel vm3, $0x4, v7;
	vm2 =	vgt.f32 v27, v15;
	vm3 =	vgt.f32 v27, v19  }
0x132: {  	s31 =	sor.u32 s15, s0;
	vm13 =	vgt.f32 v31, v19;
	vm15 =	vgt.f32 v31, v15;
	v28 =	vperm.xlane v12, v7  }
0x133: {  	v55 =	vld [tilespmem:s31+$0x40B0];
	v4 =	vperm.xlane v17, v7;
	v24 =	vsel vm2, $0x1, v9;
	v29 =	vperm.xlane v13, v7  }
0x134: {  	vm2 =	vgt.f32 v27, v16;
	v38 =	vperm.xlane v14, v7;
	v37 =	vsel vm15, $0x1, v9  }
0x135: {  	v59 =	vperm.xlane v18, v7;
	v24 =	vsel vm2, $0x2, v24;
	vm2 =	vgt.f32 v27, v21  }
0x136: {  	v2 =	vsub.f32 v2, v28;
	v24 =	vsel vm3, $0x3, v24;
	v22 =	vmax.f32 v22, $0.0e+00  }
0x137: {  	v24 =	vsel vm2, $0x4, v24;
	vm2 =	vgt.f32 v31, v16;
	v40 =	vpop (erf);
	(erf) = vrcp.f32 v8  }
0x138: {  	v8 =	vmax.f32 v55, $0.0e+00;
	v2 =	vmul.f32 v2, v4;
	v4 =	vperm.xlane v11, v7  }
0x139: {  	v28 =	vmin.f32 v22, $1.000000000e+00;
	v30 =	vperm.xlane v12, v24;
	v33 =	vperm.xlane v18, v24  }
0x13a: {  	v39 =	vperm.xlane v14, v24;
	v0 =	vmul.f32 v40, v0;
	v37 =	vsel vm2, $0x2, v37  }
0x13b: {  	v26 =	vperm.xlane v13, v24;
	v60 =	vperm.xlane v11, v24;
	vm3 =	vgt.f32 v28, v19  }
0x13c: {  	vm14 =	vgt.f32 v28, v16;
	vm9 =	vgt.f32 v28, v15;
	v22 =	vmul.f32 v2, v2  }
0x13d: {  	v36 =	vsel vm9, $0x1, v9;
	v27 =	vsub.f32 v27, v30;
	v30 =	vperm.xlane v17, v24  }
0x13e: {  	v54 =	vmul.f32 v59, v2;
	v38 =	vmul.f32 v38, v2;
	v36 =	vsel vm14, $0x2, v36  }
0x13f: {  	v4 =	vmul.f32 v4, v22;
	v36 =	vsel vm3, $0x3, v36;
	vm3 =	vgt.f32 v28, v21  }
0x140: {  	v22 =	vperm.xlane v57, v24;
	v30 =	vmul.f32 v27, v30;
	v51 =	vsel vm3, $0x4, v36  }
0x141: {  	v27 =	vsel vm13, $0x3, v37;
	v62 =	vadd.f32 $2.000000000e+00, v38;
	v36 =	vperm.xlane v12, v51  }
0x142: {  	vm3 =	vgt.f32 v31, v21;
	v58 =	vperm.xlane v17, v51;
	v46 =	vmul.f32 v33, v30  }
0x143: {  	v40 =	vsel vm3, $0x4, v27;
	v44 =	vperm.xlane v11, v51;
	v27 =	vperm.xlane v57, v7  }
0x144: {  	v7 =	vadd.f32 $2.000000000e+00, v32;
	v61 =	vperm.xlane v18, v51;
	v32 =	vperm.xlane v57, v51  }
0x145: {  	v8 =	vmin.f32 v8, $1.000000000e+00;
	v59 =	vmul.f32 v30, v30;
	v38 =	vmul.f32 v39, v30  }
0x146: {  	v2 =	vmul.f32 v62, v2;
	v24 =	vperm.xlane v57, v40;
	v36 =	vsub.f32 v28, v36  }
0x147: {  	vm2 =	vgt.f32 v8, v16;
	v37 =	vperm.xlane v12, v40;
	v35 =	vperm.xlane v14, v40  }
0x148: {  	vm3 =	vgt.f32 v8, v15;
	v39 =	vperm.xlane v18, v40;
	v33 =	vmul.f32 v36, v58  }
0x149: {  	v10 =	vmovc v57;
	v57 =	vsel vm3, $0x1, v9;
	v28 =	vperm.xlane v13, v40;
	v3 =	vadd.f32 v7, v3  }
0x14a: {  	vm3 =	vgt.f32 v8, v19;
	v36 =	vperm.xlane v17, v40;
	v7 =	vmul.f32 v33, v33  }
0x14b: {  	v56 =	vld [tilespmem:s31+$0x40A0];
	v46 =	vadd.f32 $2.000000000e+00, v46;
	(erf) = vrcp.f32 v3;
	v3 =	vperm.xlane v14, v51  }
0x14c: {  	v20 =	vmul.f32 v44, v7;
	v7 =	vadd.f32 $2.000000000e+00, v54;
	v44 =	vmul.f32 v0, v34  }
0x14d: {  	v0 =	vmul.f32 v61, v33;
	v34 =	vperm.xlane v13, v51;
	v51 =	vsel vm2, $0x2, v57  }
0x14e: {  	v63 =	vld [tilespmem:s31+$0x4090];
	v47 =	vmul.f32 v3, v33;
	vm2 =	vgt.f32 v8, v21;
	v61 =	vpop (erf);
	v3 =	vsel vm3, $0x3, v51  }
0x14f: {  	v6 =	vmul.f32 v61, v6;
	v4 =	vadd.f32 v7, v4;
	v58 =	vadd.f32 $2.000000000e+00, v0  }
0x150: {  	v7 =	vmax.f32 v56, $0.0e+00;
	v51 =	vsel vm2, $0x4, v3;
	v3 =	vsub.f32 v41, v42  }
0x151: {  	v54 =	vld [tilespmem:s31+$0x4080];
	v7 =	vmin.f32 v7, $1.000000000e+00;
	v41 =	vperm.xlane v13, v51;
	v56 =	vperm.xlane v14, v51  }
0x152: {  	v6 =	vmul.f32 v6, v49;
	vm10 =	vgt.f32 v7, v15;
	(erf) = vrcp.f32 v4  }
0x153: {  	v4 =	vmax.f32 v63, $0.0e+00;
	v3 =	vmul.f32 v3, v50;
	v63 =	vperm.xlane v17, v51  }
0x154: {  	vm3 =	vgt.f32 v7, v19;
	vm2 =	vgt.f32 v7, v16;
	vm11 =	vgt.f32 v7, v21  }
0x155: {  	v50 =	vperm.xlane v11, v51;
	v42 =	vmin.f32 v4, $1.000000000e+00;
	v62 =	vsel vm10, $0x1, v9  }
0x156: {  	v4 =	vperm.xlane v12, v51;
	v57 =	vpop (erf);
	v61 =	vmax.f32 v54, $0.0e+00;
	v55 =	vsel vm2, $0x2, v62  }
0x157: {  	v5 =	vmul.f32 v57, v5;
	vm2 =	vgt.f32 v42, v19;
	v57 =	vadd.f32 v6, v48  }
0x158: {  	vm13 =	vgt.f32 v42, v16;
	vm14 =	vgt.f32 v42, v15;
	v4 =	vsub.f32 v8, v4  }
0x159: {  	v8 =	vmul.f32 v52, v3;
	v52 =	vmin.f32 v61, $1.000000000e+00;
	v55 =	vsel vm3, $0x3, v55  }
0x15a: {  	v48 =	vsel vm14, $0x1, v9;
	vm3 =	vgt.f32 v52, v19;
	v45 =	vmul.f32 v4, v63  }
0x15b: {  	vm12 =	vgt.f32 v52, v16;
	v4 =	vmul.f32 v53, v3;
	v63 =	vmul.f32 v3, v3  }
0x15c: {  	vm15 =	vgt.f32 v52, v15;
	v61 =	vmul.f32 v5, v43;
	v62 =	vmul.f32 v45, v45  }
0x15d: {  	v5 =	vsel vm13, $0x2, v48;
	v4 =	vadd.f32 $2.000000000e+00, v4;
	v1 =	vmul.f32 v1, v63  }
0x15e: {  	v5 =	vsel vm2, $0x3, v5;
	v53 =	vmul.f32 v50, v62;
	v62 =	vsel vm11, $0x4, v55  }
0x15f: {  	v1 =	vadd.f32 v4, v1;
	v6 =	vperm.xlane v12, v62;
	v0 =	vperm.xlane v18, v62  }
0x160: {  	v4 =	vsel vm15, $0x1, v9;
	v50 =	vperm.xlane v10, v62;
	v54 =	vperm.xlane v14, v62  }
0x161: {  	v4 =	vsel vm12, $0x2, v4;
	v43 =	vperm.xlane v13, v62;
	v48 =	vperm.xlane v11, v62  }
0x162: {  	(erf) = vrcp.f32 v1;
	v1 =	vsel vm3, $0x3, v4;
	vm3 =	vgt.f32 v52, v21  }
0x163: {  	v4 =	vsub.f32 v7, v6;
	v6 =	vadd.f32 $2.000000000e+00, v8;
	v8 =	vperm.xlane v17, v62  }
0x164: {  	v7 =	vpop (erf);
	v55 =	vsel vm3, $0x4, v1;
	vm3 =	vgt.f32 v42, v21;
	v1 =	vmul.f32 v60, v59  }
0x165: {  	v59 =	vadd.f32 v58, v20;
	v63 =	vmul.f32 v7, v2;
	v2 =	vperm.xlane v12, v55  }
0x166: {  	v60 =	vsel vm3, $0x4, v5;
	v49 =	vmul.f32 v4, v8;
	v8 =	vmul.f32 v6, v3  }
0x167: {  	v6 =	vperm.xlane v17, v55;
	v7 =	vsub.f32 v52, v2;
	v52 =	vperm.xlane v10, v60  }
0x168: {  	s0 =	simm.s32 $0x8;
	[tilespmem:s29+$0xC080] =	vst v57;
	v20 =	vimm.s32 $0x0;
	v2 =	vperm.xlane v18, v51;
	v62 =	vmul.f32 v0, v49  }
.LBB2_9:
0x169: {  	v0 =	vperm.xlane v11, v55;
	v58 =	vperm.xlane v11, v40  }
0x16a: {  	s0 =	sadd.s32 $0x4, s0;
	v3 =	vadd.f32 v44, v25;
	v5 =	vld [tilespmem:$0x1FF70];
	v25 =	vmovc v27;
	v27 =	vperm.xlane v10, v51;
	v44 =	vmul.f32 v63, v29  }
0x16b: {  	s5 =	sadd.s32 $0x200, s5;
	v63 =	vperm.xlane v13, v55;
	s1 =	sshll.u32 s0, $0x4;
	v2 =	vmul.f32 v2, v45  }
0x16c: {  	v1 =	vadd.f32 v46, v1;
	s2 =	sshll.u32 s0, $0x2;
	s15 =	sand.u32 $0xC00, s5;
	v46 =	vmul.f32 v56, v45;
	s1 =	sand.u32 $0x3000, s1;
	[tilespmem:s29+$0xC0B0] =	vst v3;
	v3 =	vmul.f32 v7, v6  }
0x16d: {  	s3 =	sadd.s32 $0x40, s3;
	s2 =	sand.u32 $0x380, s2;
	v6 =	vperm.xlane v12, v60;
	v7 =	vperm.xlane v17, v60;
	s1 =	sor.u32 s15, s1;
	v4 =	vpop (erf)  }
0x16e: {  	s15 =	sand.u32 $0x40, s3;
	s1 =	sor.u32 s2, s1;
	(erf) = vrcp.f32 v59;
	v4 =	vmul.f32 v4, v8  }
0x16f: {  	v40 =	vmovc v60;
	v9 =	vadd.f32 v61, v5;
	v8 =	vperm.xlane v13, v60;
	s1 =	sor.u32 s15, s1;
	v61 =	vperm.xlane v10, v55  }
0x170: {  	v5 =	vmovc v22;
	v22 =	vmovc v50;
	v50 =	vadd.f32 $2.000000000e+00, v38;
	v60 =	vmul.f32 v3, v3;
	v38 =	vmul.f32 v54, v49;
	v51 =	vld [tilespmem:s1+$0x40B0]  }
0x171: {  	v54 =	vperm.xlane v18, v40;
	[tilespmem:$0x1FF70] =	vst v5;
	v5 =	vperm.xlane v18, v55;
	v56 =	vld [tilespmem:s1+$0x4080]  }
0x172: {  	(erf) = vrcp.f32 v1;
	v57 =	vmul.f32 v0, v60;
	v0 =	vadd.f32 $2.000000000e+00, v2;
	v2 =	vld [tilespmem:s1+$0x4090]  }
0x173: {  	v47 =	vadd.f32 $2.000000000e+00, v47;
	v1 =	vperm.xlane v14, v55;
	[tilespmem:s29+$0xC0A0] =	vst v9;
	v9 =	vld [tilespmem:$0x1FF80];
	v5 =	vmul.f32 v5, v3  }
0x174: {  	v46 =	vadd.f32 $2.000000000e+00, v46;
	v4 =	vmul.f32 v4, v23;
	v23 =	vmovc v28;
	v28 =	vmovc v8;
	v60 =	vmul.f32 v49, v49;
	v8 =	vld [tilespmem:s1+$0x40A0]  }
0x175: {  	v0 =	vadd.f32 v0, v53;
	v53 =	vperm.xlane v14, v40;
	v59 =	vadd.f32 $2.000000000e+00, v5  }
0x176: {  	v5 =	vmul.f32 v46, v45;
	v46 =	vadd.f32 $2.000000000e+00, v62;
	v62 =	vmul.f32 v47, v33;
	v33 =	vmovc v3  }
0x177: {  	v51 =	vmax.f32 v51, $0.0e+00;
	v47 =	vmul.f32 v1, v33;
	(erf) = vrcp.f32 v0  }
0x178: {  	v4 =	vadd.f32 v4, v9;
	v45 =	vmin.f32 v51, $1.000000000e+00;
	v0 =	vmax.f32 v2, $0.0e+00  }
0x179: {  	v9 =	vmovc v24;
	v24 =	vmovc v52;
	v52 =	vmax.f32 v56, $0.0e+00;
	v59 =	vadd.f32 v59, v57;
	v8 =	vmax.f32 v8, $0.0e+00  }
0x17a: {  	vm2 =	vgt.f32 v45, v16;
	vm3 =	vgt.f32 v45, v15;
	v52 =	vmin.f32 v52, $1.000000000e+00  }
0x17b: {  	v2 =	vpop (erf);
	v8 =	vmin.f32 v8, $1.000000000e+00;
	[tilespmem:s29+$0xC090] =	vst v4;
	v4 =	vsel vm3, $0x1, v20;
	vm3 =	vgt.f32 v45, v19  }
0x17c: {  	v2 =	vmul.f32 v2, v62;
	vm5 =	vgt.f32 v52, v16;
	vm7 =	vgt.f32 v52, v15  }
0x17d: {  	vm4 =	vgt.f32 v8, v15;
	v3 =	vsel vm2, $0x2, v4;
	vm2 =	vgt.f32 v45, v21  }
0x17e: {  	v4 =	vmul.f32 v50, v30;
	vm14 =	vgt.f32 v8, v21;
	v1 =	vsel vm3, $0x3, v3  }
0x17f: {  	v62 =	vpop (erf);
	vm3 =	vgt.f32 v8, v19;
	v2 =	vmul.f32 v2, v34;
	v51 =	vsel vm2, $0x4, v1  }
0x180: {  	v1 =	vsub.f32 v31, v37;
	v31 =	vmovc v42;
	v42 =	vmin.f32 v0, $1.000000000e+00;
	v0 =	vsel vm4, $0x1, v20  }
0x181: {  	vm2 =	vgt.f32 v8, v16;
	v4 =	vmul.f32 v62, v4;
	v3 =	vperm.xlane v12, v51  }
0x182: {  	v29 =	vmovc v41;
	v41 =	vperm.xlane v13, v51;
	v0 =	vsel vm2, $0x2, v0;
	vm2 =	vgt.f32 v42, v19  }
0x183: {  	v37 =	vmovc v6;
	v6 =	vmul.f32 v1, v36;
	v1 =	vperm.xlane v17, v51;
	v3 =	vsub.f32 v45, v3  }
0x184: {  	v56 =	vperm.xlane v14, v51;
	v2 =	vadd.f32 v2, v32;
	vm15 =	vgt.f32 v42, v16  }
0x185: {  	vm6 =	vgt.f32 v42, v15;
	v36 =	vmovc v7;
	v7 =	vmul.f32 v35, v6;
	v45 =	vmul.f32 v3, v1  }
0x186: {  	v0 =	vsel vm3, $0x3, v0;
	v50 =	vmul.f32 v6, v6;
	v1 =	vmul.f32 v39, v6  }
0x187: {  	v34 =	vmovc v63;
	v0 =	vsel vm14, $0x4, v0;
	v35 =	vmovc v53;
	v3 =	vperm.xlane v11, v51;
	v53 =	vmul.f32 v45, v45  }
0x188: {  	v32 =	vmovc v61;
	vm3 =	vgt.f32 v52, v19;
	v61 =	vmul.f32 v4, v26;
	v63 =	vperm.xlane v12, v0  }
0x189: {  	[tilespmem:$0x1FF80] =	vst v9;
	v1 =	vadd.f32 $2.000000000e+00, v1;
	v53 =	vmul.f32 v3, v53;
	v3 =	vmul.f32 v58, v50  }
0x18a: {  	s29 =	smov.u32 s30;
	v9 =	vsel vm6, $0x1, v20;
	v26 =	vmovc v43;
	v43 =	vperm.xlane v13, v0;
	v39 =	vmovc v54;
	v54 =	vperm.xlane v14, v0  }
0x18b: {  	[tilespmem:s29+$0xC080] =	vst v2;
	v2 =	vadd.f32 $2.000000000e+00, v7;
	v1 =	vadd.f32 v1, v3;
	v3 =	vsel vm7, $0x1, v20  }
0x18c: {  	v7 =	vperm.xlane v17, v0;
	v58 =	vperm.xlane v18, v0;
	v3 =	vsel vm5, $0x2, v3  }
0x18d: {  	v62 =	vpop (erf);
	v50 =	vperm.xlane v10, v0;
	(erf) = vrcp.f32 v1;
	v1 =	vsel vm3, $0x3, v3  }
0x18e: {  	p0 =	slt.u32 s0, $0x3FC;
	v3 =	vsub.f32 v8, v63;
	vm3 =	vgt.f32 v52, v21;
	v63 =	vmul.f32 v62, v5  }
.Ltmp6:
0x18f: {  	v5 =	vsel vm15, $0x2, v9;
	v8 =	vmul.f32 v2, v6;
	v2 =	vperm.xlane v18, v51;
	(pc) =	sbr.rel @p0 .LBB2_9-.Ltmp6, $4  }
0x190: {  	v55 =	vsel vm3, $0x4, v1;
	vm3 =	vgt.f32 v42, v21;
	v1 =	vmul.f32 v48, v60  }
0x191: {  	v30 =	vmovc v49;
	v5 =	vsel vm2, $0x3, v5;
	v4 =	vperm.xlane v12, v55;
	v49 =	vmul.f32 v3, v7  }
0x192: {  	v48 =	vperm.xlane v11, v0;
	v6 =	vperm.xlane v17, v55;
	v60 =	vsel vm3, $0x4, v5  }
0x193: {  	s30 =	smov.u32 s31;
	s31 =	smov.u32 s1;
	v7 =	vsub.f32 v52, v4;
	v62 =	vmul.f32 v58, v49;
	v52 =	vperm.xlane v10, v60  }
0x194: {  	v0 =	vperm.xlane v11, v55;
	v3 =	vperm.xlane v11, v40  }
0x195: {  	v5 =	vperm.xlane v10, v51;
	v2 =	vmul.f32 v2, v45  }
0x196: {  	v51 =	vperm.xlane v12, v60;
	v57 =	vperm.xlane v18, v55  }
0x197: {  	v31 =	vsub.f32 v31, v37;
	v37 =	vperm.xlane v10, v55;
	v40 =	vmul.f32 v56, v45  }
0x198: {  	v1 =	vadd.f32 v46, v1;
	v29 =	vmul.f32 v63, v29;
	v46 =	vperm.xlane v13, v55  }
0x199: {  	v63 =	vperm.xlane v18, v60;
	v6 =	vmul.f32 v7, v6  }
0x19a: {  	v7 =	vperm.xlane v13, v60;
	v31 =	vmul.f32 v31, v36  }
0x19b: {  	v4 =	vpop (erf);
	v36 =	vmul.f32 v49, v49;
	(erf) = vrcp.f32 v59  }
0x19c: {  	v9 =	vadd.f32 v44, v25;
	v4 =	vmul.f32 v4, v8;
	v8 =	vmul.f32 v6, v6  }
0x19d: {  	v44 =	vadd.f32 $2.000000000e+00, v47;
	v25 =	vmul.f32 v57, v6;
	(erf) = vrcp.f32 v1  }
0x19e: {  	v2 =	vadd.f32 $2.000000000e+00, v2;
	v39 =	vmul.f32 v39, v31;
	v4 =	vmul.f32 v4, v23  }
0x19f: {  	v0 =	vmul.f32 v0, v8;
	v8 =	vperm.xlane v17, v60;
	v23 =	vsub.f32 v42, v51  }
0x1a0: {  	v2 =	vadd.f32 v2, v53;
	v58 =	vmul.f32 v31, v31;
	v53 =	vperm.xlane v11, v60  }
0x1a1: {  	v38 =	vadd.f32 $2.000000000e+00, v38;
	v35 =	vmul.f32 v35, v31;
	v8 =	vmul.f32 v23, v8  }
0x1a2: {  	v25 =	vadd.f32 $2.000000000e+00, v25;
	v39 =	vadd.f32 $2.000000000e+00, v39;
	v3 =	vmul.f32 v3, v58  }
0x1a3: {  	v51 =	vadd.f32 $2.000000000e+00, v62;
	v56 =	vmul.f32 v63, v8;
	v57 =	vmul.f32 v8, v8  }
0x1a4: {  	(erf) = vrcp.f32 v2;
	v58 =	vmul.f32 v48, v36;
	v3 =	vadd.f32 v39, v3  }
0x1a5: {  	v20 =	vld [tilespmem:$0x1FF80];
	v0 =	vadd.f32 v25, v0;
	v59 =	vadd.f32 $2.000000000e+00, v56;
	v1 =	vmul.f32 v53, v57  }
0x1a6: {  	v62 =	vperm.xlane v14, v55;
	v2 =	vadd.f32 v51, v58;
	(erf) = vrcp.f32 v3  }
0x1a7: {  	v36 =	vmul.f32 v44, v33;
	(erf) = vrcp.f32 v0;
	v1 =	vadd.f32 v59, v1  }
0x1a8: {  	v25 =	vmul.f32 v62, v6;
	v39 =	vadd.f32 $2.000000000e+00, v40;
	(erf) = vrcp.f32 v2  }
0x1a9: {  	v47 =	vadd.f32 $2.000000000e+00, v35;
	v63 =	vmul.f32 v54, v49;
	v40 =	vpop (erf);
	(erf) = vrcp.f32 v1  }
0x1aa: {  	v4 =	vadd.f32 v4, v20;
	v2 =	vmul.f32 v39, v45;
	v45 =	vperm.xlane v14, v60  }
0x1ab: {  	v42 =	vld [tilespmem:$0x1FF70];
	v20 =	vmul.f32 v47, v31;
	v48 =	vadd.f32 $2.000000000e+00, v25;
	v3 =	vmul.f32 v38, v30  }
0x1ac: {  	v0 =	vadd.f32 $2.000000000e+00, v63;
	v21 =	vmul.f32 v40, v36;
	v44 =	vpop (erf);
	v30 =	vmul.f32 v45, v8  }
0x1ad: {  	v6 =	vmul.f32 v48, v6;
	v3 =	vmul.f32 v44, v3  }
0x1ae: {  	v0 =	vmul.f32 v0, v49;
	v21 =	vmul.f32 v21, v34;
	v51 =	vpop (erf);
	v54 =	vadd.f32 $2.000000000e+00, v30  }
0x1af: {  	[tilespmem:s29+$0xC0B0] =	vst v9;
	v56 =	vadd.f32 v29, v27;
	v3 =	vmul.f32 v3, v26;
	v2 =	vmul.f32 v51, v2;
	v53 =	vpop (erf)  }
0x1b0: {  	[tilespmem:s29+$0xC090] =	vst v4;
	v1 =	vadd.f32 v61, v42;
	v8 =	vmul.f32 v54, v8;
	v9 =	vmul.f32 v53, v20;
	v20 =	vpop (erf)  }
0x1b1: {  	[tilespmem:s30+$0xC0B0] =	vst v56;
	v55 =	vadd.f32 v21, v32;
	v2 =	vmul.f32 v2, v41;
	v6 =	vmul.f32 v20, v6;
	v20 =	vpop (erf)  }
0x1b2: {  	[tilespmem:s29+$0xC0A0] =	vst v1;
	v57 =	vadd.f32 v3, v22;
	v9 =	vmul.f32 v9, v28;
	v0 =	vmul.f32 v20, v0;
	v59 =	vpop (erf)  }
0x1b3: {  	[tilespmem:s30+$0xC080] =	vst v55;
	v2 =	vadd.f32 v2, v5;
	v58 =	vmul.f32 v6, v46;
	v6 =	vmul.f32 v59, v8  }
0x1b4: {  	[tilespmem:s30+$0xC0A0] =	vst v57;
	v60 =	vadd.f32 v9, v24;
	v0 =	vmul.f32 v0, v43  }
0x1b5: {  	p0 =	seq.s32 s26, $0x3;
	[tilespmem:s31+$0xC0B0] =	vst v2;
	v61 =	vadd.f32 v58, v37;
	v62 =	vmul.f32 v6, v7  }
.Ltmp7:
0x1b6: {  	[tilespmem:s30+$0xC090] =	vst v60;
	v0 =	vadd.f32 v0, v50;
	(pc) =	sbr.rel @p0 .LBB2_12-.Ltmp7, $4  }
0x1b7: {  	[tilespmem:s31+$0xC080] =	vst v61;
	v63 =	vadd.f32 v62, v52  }
0x1b8: {  	[tilespmem:s31+$0xC0A0] =	vst v0  }
0x1b9: {  	s0 =	sadd.s32 s28, s11;
	[tilespmem:s31+$0xC090] =	vst v63  }
0x1ba: {  	[hbm4b:s0+s4] =	stream.linear.scatter [tilespmem:s23], [sflag:$0x4], $0x4000, $0x38;
	[tilespmem:$0x10080] =	vst v63  }
.Ltmp8:
0x1bb: {  	(pc) =	sbr.rel .LBB2_2-.Ltmp8, $3  }
0x1bc: {  	_ =	sdelay $0x1  }
0x1bd: {  	s0 =	sadd.s32 s28, s12;
	s26 =	sadd.s32 $0x1, s26  }
0x1be: {  	v4 =	vmov v13;
	v5 =	vimm.s32 $0x0;
	v9 =	vld [tilespmem:$0x1FFB0];
	[tilespmem:s18], [sflag:$0x2] =	stream.linear.gather [hbm4b:s0+s4], $0x4000, $0x38  }
.LBB2_13:
0x1bf: {  	_ =	sfence.sel $0x180000  }
0x1c0: {  	[bflag:$0x0] =	sbarrier.arrive $0xFFFF  }
0x1c1: {  	_ =	strace $0x90000047  }
0x1c2: {  	s0 =	stileid.u32;
	[bflag:$0x2] =	sbarrier.arrive $0xFFFF  }
0x1c3: {  	p0 =	sne.s32 s0, $0x0;
	s0 =	rddreg [dreg:$0x5]  }
0x1c4: {  	s0 =	sadd.s32 @!p0 $0x100000, s0  }
0x1c5: {  	[sflag:s0] =	ssyncadd.tile.s32 @!p0 $0x1;
	_ =	shalt  }
.Lfunc_end2:
_tile_overlayer_lowered:
.L_overlay_start_2:
0x1c6: {  	(tag) =	ssettag $0x2  }
0x1c7: {  	s0 =	rddreg [dreg:$0x0];
	s2 =	stileid.u32  }
0x1c8: {  	s1 =	rddreg [dreg:$0x1];
	p0 =	sne.s32 s2, $0x0  }
0x1c9: {  	s3 =	rddreg [dreg:$0x2];
	[bflag:$0x3] =	sbarrier.arrive $0xFFFF;
	s2 =	simm.s32 @!p0 $0x1C05  }
0x1ca: {  	[timem:s3], [sflag:s2] =	dma.local @!p0 [hbm:s0], s1  }
0x1cb: {  	s0 =	simm.s32 @!p0 $0x5  }
0x1cc: {  	_ =	swait.ge @!p0 [sflag:s0], s1  }
0x1cd: {  	s1 =	ssub.s32 @!p0 $0x0, s1;
	[sflag:s0] =	ssyncset.done @!p0 $0x0  }
0x1ce: {  	[sflag:s0] =	ssyncadd.s32 @!p0 s1  }
0x1cf: {  	[bflag:$0x3] =	sbarrier.arrive $0xFFFF  }
0x1d0: {  	_ =	shalt  }

</sc_bundles>
